<compile_context>
chip_gen: v7x
topology: tpu7x:2x2x1
jax: 0.10.2.dev20260603
libtpu: 0.0.44.dev20260713+nightly
codegen_flags: <defaults>
</compile_context>

<pallas_src>
import jax
import jax.numpy as jnp
from jax import lax
from jax.experimental import pallas as pl
from jax.experimental.pallas import tpu as pltpu
from jax.experimental.pallas import tpu_sc as plsc

N = 10000
E = 160000
D = 256
H = 128
NS = 16
L = 16

EPT = E // NS
EC = 80
NCH = EPT // EC
RC = 80
NRCH = N // RC
RPT = -(-NRCH // NS)
NP = 10240


def _sc_body(xview, src2, dst, h0o, h1o, dego, acc, idx0, idx1, dst0, dst1,
             rows0, rows1, degloc, sg0, sg1, si0, si1):
    c = lax.axis_index("c")
    s = lax.axis_index("s")
    zvec = jnp.zeros((L,), dtype=jnp.float32)
    ones = jnp.ones((L,), dtype=jnp.float32)
    idx_b = (idx0, idx1)
    dst_b = (dst0, dst1)
    rows_b = (rows0, rows1)
    sg_b = (sg0, sg1)
    si_b = (si0, si1)

    def zrow(r, carry):
        for j in range(H // L):
            rows0[r, pl.ds(j * L, L)] = zvec
        return carry

    lax.fori_loop(0, RC, zrow, 0)

    def zdeg(i, carry):
        degloc[pl.ds(i * L, L)] = zvec
        return carry

    lax.fori_loop(0, N // L, zdeg, 0)

    for k in range(RPT):
        cid = k * NS + s

        @pl.when(cid < NRCH)
        def _():
            pltpu.sync_copy(rows0, acc.at[pl.ds(cid * RC, RC)])

    plsc.subcore_barrier()

    base = s * EPT

    sbase = c * E + base

    def start_load_idx(k, b):
        eoff = k * EC
        pltpu.async_copy(src2.at[pl.ds(sbase + eoff, EC)], idx_b[b], si_b[b])
        pltpu.async_copy(dst.at[pl.ds(base + eoff, EC)], dst_b[b], si_b[b])

    def wait_load_idx(k, b):
        eoff = k * EC
        pltpu.make_async_copy(src2.at[pl.ds(sbase + eoff, EC)], idx_b[b],
                              si_b[b]).wait()
        pltpu.make_async_copy(dst.at[pl.ds(base + eoff, EC)], dst_b[b],
                              si_b[b]).wait()

    def start_gather(b):
        pltpu.async_copy(xview.at[idx_b[b]], rows_b[b], sg_b[b])

    def wait_gather(b):
        pltpu.make_async_copy(xview.at[idx_b[b]], rows_b[b], sg_b[b]).wait()

    start_load_idx(0, 0)
    wait_load_idx(0, 0)
    start_gather(0)
    start_load_idx(1, 1)

    def body(k2, carry):
        for b in range(2):
            k = k2 * 2 + b

            @pl.when(k < NCH)
            def _():
                wait_gather(b)

                @pl.when(k + 1 < NCH)
                def _():
                    wait_load_idx(k + 1, 1 - b)
                    start_gather(1 - b)

                pltpu.sync_copy(rows_b[b], acc.at[dst_b[b]], add=True)

                @pl.when(c == 0)
                def _():
                    for j in range(EC // L):
                        iv = dst_b[b][pl.ds(j * L, L)]
                        plsc.addupdate_scatter(degloc, [iv], ones)

                @pl.when(k + 2 < NCH)
                def _():
                    start_load_idx(k + 2, b)

        return carry

    lax.fori_loop(0, (NCH + 1) // 2, body, 0)

    @pl.when(c == 0)
    def _():
        pltpu.sync_copy(degloc, dego.at[pl.ds(s * NP, N)])

    plsc.subcore_barrier()

    for k in range(RPT):
        cid = k * NS + s

        @pl.when(cid < NRCH)
        def _():
            row0 = cid * RC

            @pl.when(c == 0)
            def _():
                pltpu.sync_copy(acc.at[pl.ds(row0, RC)],
                                h0o.at[pl.ds(row0, RC)])

            @pl.when(c == 1)
            def _():
                pltpu.sync_copy(acc.at[pl.ds(row0, RC)],
                                h1o.at[pl.ds(row0, RC)])


_sc_agg = pl.kernel(
    _sc_body,
    out_type=(
        jax.ShapeDtypeStruct((N, H), jnp.float32),
        jax.ShapeDtypeStruct((N, H), jnp.float32),
        jax.ShapeDtypeStruct((NS * NP,), jnp.float32),
    ),
    mesh=plsc.VectorSubcoreMesh(core_axis_name="c", subcore_axis_name="s"),
    compiler_params=pltpu.CompilerParams(needs_layout_passes=False),
    scratch_types=[
        pltpu.VMEM_SHARED((N, H), jnp.float32),
        pltpu.VMEM((EC,), jnp.int32),
        pltpu.VMEM((EC,), jnp.int32),
        pltpu.VMEM((EC,), jnp.int32),
        pltpu.VMEM((EC,), jnp.int32),
        pltpu.VMEM((EC, H), jnp.float32),
        pltpu.VMEM((EC, H), jnp.float32),
        pltpu.VMEM((N,), jnp.float32),
        pltpu.SemaphoreType.DMA,
        pltpu.SemaphoreType.DMA,
        pltpu.SemaphoreType.DMA,
        pltpu.SemaphoreType.DMA,
    ],
)


BN = 2000


def _tc_body(x_ref, h0_ref, h1_ref, dg_ref, ws_ref, wn0_ref, wn1_ref,
             b_ref, o_ref):
    deg = jnp.sum(dg_ref[...], axis=1)
    rdeg = (1.0 / jnp.maximum(deg, 1.0))[:, None]
    o_ref[...] = (
        jnp.dot(x_ref[...], ws_ref[...], preferred_element_type=jnp.float32)
        + jnp.dot(h0_ref[...] * rdeg, wn0_ref[...],
                  preferred_element_type=jnp.float32)
        + jnp.dot(h1_ref[...] * rdeg, wn1_ref[...],
                  preferred_element_type=jnp.float32)
        + b_ref[...]
    )


_tc_dense = pl.pallas_call(
    _tc_body,
    grid=(N // BN,),
    in_specs=[
        pl.BlockSpec((BN, D), lambda i: (i, 0)),
        pl.BlockSpec((BN, H), lambda i: (i, 0)),
        pl.BlockSpec((BN, H), lambda i: (i, 0)),
        pl.BlockSpec((BN, NS), lambda i: (i, 0)),
        pl.BlockSpec((D, D), lambda i: (0, 0)),
        pl.BlockSpec((H, D), lambda i: (0, 0)),
        pl.BlockSpec((H, D), lambda i: (0, 0)),
        pl.BlockSpec((1, D), lambda i: (0, 0)),
    ],
    out_specs=pl.BlockSpec((BN, D), lambda i: (i, 0)),
    out_shape=jax.ShapeDtypeStruct((N, D), jnp.float32),
)


def kernel(x, edge_index, W_self, W_neigh, b):
    src = edge_index[0].astype(jnp.int32)
    dst = edge_index[1].astype(jnp.int32)
    xview = x.reshape(2 * N, H)
    s2 = src * 2
    src2 = jnp.concatenate([s2, s2 + 1])
    h0, h1, dego = _sc_agg(xview, src2, dst)
    deg16 = dego.reshape(NS, NP)[:, :N].T
    return _tc_dense(x, h0, h1, deg16, W_self, W_neigh[:H], W_neigh[H:],
                     b.reshape(1, D))

# --- scband reference (transcript-rebuilt; emitter-appended) ---
"""Pipeline reference for scband-sageconv-40759239639567 (READ-ONLY COPY).

The authoritative reference and input builder live on the scoring server;
editing this copy changes nothing except your own understanding.
"""

import jax, jax.numpy as jnp
import numpy as np

N = 10000
E = 160000
D_IN = 256
D_OUT = 256


def setup_inputs(seed: int = 0) -> dict:
    key = jax.random.key(seed)
    k1, k2, k3, k4, k5 = jax.random.split(key, 5)
    x = jax.random.normal(k1, (N, D_IN), dtype=jnp.float32)
    edge_index = jax.random.randint(k2, (2, E), 0, N, dtype=jnp.int64)
    W_self = jax.random.normal(k3, (D_IN, D_OUT), dtype=jnp.float32) * 0.05
    W_neigh = jax.random.normal(k4, (D_IN, D_OUT), dtype=jnp.float32) * 0.05
    b = jax.random.normal(k5, (D_OUT,), dtype=jnp.float32) * 0.05
    return {"x": x, "edge_index": edge_index, "W_self": W_self, "W_neigh": W_neigh, "b": b}


def reference(x, edge_index, W_self, W_neigh, b):
    # DGL SAGEConv with aggregator_type='mean':
    #   h_neigh = mean_{j in N(i)} x_j
    #   rst = fc_self(x_i) + fc_neigh(h_neigh) + bias
    src = edge_index[0]
    dst = edge_index[1]
    msg = jnp.take(x, src, axis=0)                               # gather  [E, D_IN]
    agg = jax.ops.segment_sum(msg, dst, num_segments=N)          # scatter-add [N, D_IN]
    deg = jax.ops.segment_sum(jnp.ones((E,), dtype=jnp.float32), dst, num_segments=N)
    h_neigh = agg / jnp.clip(deg, 1.0, None)[:, None]            # mean aggregation
    rst = x @ W_self + h_neigh @ W_neigh + b
    return rst

if __name__ == "__main__":
    import jax
    _d = setup_inputs()
    print(jax.jit(kernel)(*tuple(_d.values())))

</pallas_src>

<mosaic_0001>
#map = affine_map<(d0, d1) -> (0, 0)>
#map1 = affine_map<(d0, d1) -> (0)>
module attributes {stable_mosaic.version = 14 : i64} {
  func.func @_sc_body(%arg0: i32, %arg1: i32, %arg2: memref<20000x128xf32, #tpu.memory_space<hbm>>, %arg3: memref<320000xi32, #tpu.memory_space<hbm>>, %arg4: memref<160000xi32, #tpu.memory_space<hbm>>, %arg5: memref<10000x128xf32, #tpu.memory_space<hbm>>, %arg6: memref<10000x128xf32, #tpu.memory_space<hbm>>, %arg7: memref<163840xf32, #tpu.memory_space<hbm>>, %arg8: memref<10000x128xf32, #tpu.memory_space<vmem_shared>>, %arg9: memref<80xi32, #tpu.memory_space<vmem>>, %arg10: memref<80xi32, #tpu.memory_space<vmem>>, %arg11: memref<80xi32, #tpu.memory_space<vmem>>, %arg12: memref<80xi32, #tpu.memory_space<vmem>>, %arg13: memref<80x128xf32, #tpu.memory_space<vmem>>, %arg14: memref<80x128xf32, #tpu.memory_space<vmem>>, %arg15: memref<10000xf32, #tpu.memory_space<vmem>>, %arg16: memref<!tpu.dma_semaphore, #tpu.memory_space<semaphore_mem>>, %arg17: memref<!tpu.dma_semaphore, #tpu.memory_space<semaphore_mem>>, %arg18: memref<!tpu.dma_semaphore, #tpu.memory_space<semaphore_mem>>, %arg19: memref<!tpu.dma_semaphore, #tpu.memory_space<semaphore_mem>>) attributes {dimension_semantics = [#tpu.dimension_semantics<core_parallel>, #tpu.dimension_semantics<subcore_parallel>], iteration_bounds = array<i64: 2, 16>, scalar_prefetch = 0 : i64, scratch_operands = 12 : i64, tpu.core_type = #tpu.core_type<sc_vector_subcore>, window_params = [{transform_indices = #map}, {transform_indices = #map1}, {transform_indices = #map1}, {transform_indices = #map}, {transform_indices = #map}, {transform_indices = #map1}]} {
    %broadcast_in_dim3A = arith.constant 0.000000e+00 : f32
    %broadcast_in_dim3A_0 = vector.broadcast %broadcast_in_dim3A : f32 to vector<16xf32>
    %broadcast_in_dim3A_1 = arith.constant 1.000000e+00 : f32
    %broadcast_in_dim3A_2 = vector.broadcast %broadcast_in_dim3A_1 : f32 to vector<16xf32>
    %scan3A = arith.constant 0 : i32
    %scan3A_3 = arith.constant 0 : i32
    %scan3A_4 = arith.constant 80 : i32
    %scan3A_5 = arith.addi %scan3A_3, %scan3A_4 : i32
    %scan3A_6 = arith.constant 1 : i32
    scf.for %scan3A_162 = %scan3A_3 to %scan3A_5 step %scan3A_6  : i32 {
      %swap3A = arith.index_cast %scan3A_162 : i32 to index
      %swap3A_163 = arith.constant 0 : index
      %swap3A_164 = tpu.vector_load %arg13[%swap3A, %swap3A_163] {strides = array<i32>} : memref<80x128xf32, #tpu.memory_space<vmem>>, vector<16xf32>,
      tpu.vector_store %arg13[%swap3A, %swap3A_163], %broadcast_in_dim3A_0 {strides = array<i32>} : memref<80x128xf32, #tpu.memory_space<vmem>>, vector<16xf32>,
      %swap3A_165 = arith.index_cast %scan3A_162 : i32 to index
      %swap3A_166 = arith.constant 16 : index
      %swap3A_167 = tpu.vector_load %arg13[%swap3A_165, %swap3A_166] {strides = array<i32>} : memref<80x128xf32, #tpu.memory_space<vmem>>, vector<16xf32>,
      tpu.vector_store %arg13[%swap3A_165, %swap3A_166], %broadcast_in_dim3A_0 {strides = array<i32>} : memref<80x128xf32, #tpu.memory_space<vmem>>, vector<16xf32>,
      %swap3A_168 = arith.index_cast %scan3A_162 : i32 to index
      %swap3A_169 = arith.constant 32 : index
      %swap3A_170 = tpu.vector_load %arg13[%swap3A_168, %swap3A_169] {strides = array<i32>} : memref<80x128xf32, #tpu.memory_space<vmem>>, vector<16xf32>,
      tpu.vector_store %arg13[%swap3A_168, %swap3A_169], %broadcast_in_dim3A_0 {strides = array<i32>} : memref<80x128xf32, #tpu.memory_space<vmem>>, vector<16xf32>,
      %swap3A_171 = arith.index_cast %scan3A_162 : i32 to index
      %swap3A_172 = arith.constant 48 : index
      %swap3A_173 = tpu.vector_load %arg13[%swap3A_171, %swap3A_172] {strides = array<i32>} : memref<80x128xf32, #tpu.memory_space<vmem>>, vector<16xf32>,
      tpu.vector_store %arg13[%swap3A_171, %swap3A_172], %broadcast_in_dim3A_0 {strides = array<i32>} : memref<80x128xf32, #tpu.memory_space<vmem>>, vector<16xf32>,
      %swap3A_174 = arith.index_cast %scan3A_162 : i32 to index
      %swap3A_175 = arith.constant 64 : index
      %swap3A_176 = tpu.vector_load %arg13[%swap3A_174, %swap3A_175] {strides = array<i32>} : memref<80x128xf32, #tpu.memory_space<vmem>>, vector<16xf32>,
      tpu.vector_store %arg13[%swap3A_174, %swap3A_175], %broadcast_in_dim3A_0 {strides = array<i32>} : memref<80x128xf32, #tpu.memory_space<vmem>>, vector<16xf32>,
      %swap3A_177 = arith.index_cast %scan3A_162 : i32 to index
      %swap3A_178 = arith.constant 80 : index
      %swap3A_179 = tpu.vector_load %arg13[%swap3A_177, %swap3A_178] {strides = array<i32>} : memref<80x128xf32, #tpu.memory_space<vmem>>, vector<16xf32>,
      tpu.vector_store %arg13[%swap3A_177, %swap3A_178], %broadcast_in_dim3A_0 {strides = array<i32>} : memref<80x128xf32, #tpu.memory_space<vmem>>, vector<16xf32>,
      %swap3A_180 = arith.index_cast %scan3A_162 : i32 to index
      %swap3A_181 = arith.constant 96 : index
      %swap3A_182 = tpu.vector_load %arg13[%swap3A_180, %swap3A_181] {strides = array<i32>} : memref<80x128xf32, #tpu.memory_space<vmem>>, vector<16xf32>,
      tpu.vector_store %arg13[%swap3A_180, %swap3A_181], %broadcast_in_dim3A_0 {strides = array<i32>} : memref<80x128xf32, #tpu.memory_space<vmem>>, vector<16xf32>,
      %swap3A_183 = arith.index_cast %scan3A_162 : i32 to index
      %swap3A_184 = arith.constant 112 : index
      %swap3A_185 = tpu.vector_load %arg13[%swap3A_183, %swap3A_184] {strides = array<i32>} : memref<80x128xf32, #tpu.memory_space<vmem>>, vector<16xf32>,
      tpu.vector_store %arg13[%swap3A_183, %swap3A_184], %broadcast_in_dim3A_0 {strides = array<i32>} : memref<80x128xf32, #tpu.memory_space<vmem>>, vector<16xf32>,
    }
    %scan3A_7 = arith.constant 80 : i32
    %scan3A_8 = arith.constant 0 : i32
    %scan3A_9 = arith.constant 0 : i32
    %scan3A_10 = arith.constant 625 : i32
    %scan3A_11 = arith.addi %scan3A_9, %scan3A_10 : i32
    %scan3A_12 = arith.constant 1 : i32
    scf.for %scan3A_162 = %scan3A_9 to %scan3A_11 step %scan3A_12  : i32 {
      %mul3A_163 = arith.constant 16 : i32
      %mul3A_164 = arith.muli %scan3A_162, %mul3A_163 : i32
      %swap3A = arith.index_cast %mul3A_164 : i32 to index
      %swap3A_165 = tpu.vector_load %arg15[%swap3A] {strides = array<i32>} : memref<10000xf32, #tpu.memory_space<vmem>>, vector<16xf32>,
      tpu.vector_store %arg15[%swap3A], %broadcast_in_dim3A_0 {strides = array<i32>} : memref<10000xf32, #tpu.memory_space<vmem>>, vector<16xf32>,
    }
    %scan3A_13 = arith.constant 625 : i32
    %add3A = arith.constant 0 : i32
    %add3A_14 = arith.addi %add3A, %arg1 : i32
    %lt3A = arith.constant 125 : i32
    %lt3A_15 = arith.cmpi slt, %add3A_14, %lt3A : i32
    %convert_element_type3A = arith.extui %lt3A_15 : i1 to i32
    %cond3A = arith.constant 0 : i32
    %cond3A_16 = arith.cmpi ne, %convert_element_type3A, %cond3A : i32
    scf.if %cond3A_16 {
      %mul3A_162 = arith.constant 80 : i32
      %mul3A_163 = arith.muli %add3A_14, %mul3A_162 : i32
      "tpu.region"() ({
        %run_scoped3A = tpu.sem_alloc : memref<!tpu.dma_semaphore, #tpu.memory_space<semaphore_mem>>
        %dma_start3A_164 = arith.constant 0 : i32
        %dma_start3A_165 = tpu.memref_slice %arg8[%mul3A_163, %dma_start3A_164] : memref<10000x128xf32, #tpu.memory_space<vmem_shared>> -> memref<80x128xf32, #tpu.memory_space<vmem_shared>>
        %dma_start3A_166 = arith.constant 0 : i32
        %dma_start3A_167 = tpu.memref_slice %arg8[%mul3A_163, %dma_start3A_166] : memref<10000x128xf32, #tpu.memory_space<vmem_shared>> -> memref<80x128xf32, #tpu.memory_space<vmem_shared>>
        tpu.enqueue_dma source(%arg13 : memref<80x128xf32, #tpu.memory_space<vmem>>) target(%dma_start3A_167 : memref<80x128xf32, #tpu.memory_space<vmem_shared>>) target_semaphore(%run_scoped3A : memref<!tpu.dma_semaphore, #tpu.memory_space<semaphore_mem>>)
        %dma_wait3A_168 = arith.constant 0 : i32
        %dma_wait3A_169 = tpu.memref_slice %arg8[%mul3A_163, %dma_wait3A_168] : memref<10000x128xf32, #tpu.memory_space<vmem_shared>> -> memref<80x128xf32, #tpu.memory_space<vmem_shared>>
        %dma_wait3A_170 = arith.constant 0 : i32
        %dma_wait3A_171 = tpu.memref_slice %arg8[%mul3A_163, %dma_wait3A_170] : memref<10000x128xf32, #tpu.memory_space<vmem_shared>> -> memref<80x128xf32, #tpu.memory_space<vmem_shared>>
        tpu.wait_dma2 semaphore(%run_scoped3A : memref<!tpu.dma_semaphore, #tpu.memory_space<semaphore_mem>>) src(%arg13 : memref<80x128xf32, #tpu.memory_space<vmem>>) dst(%dma_wait3A_171 : memref<80x128xf32, #tpu.memory_space<vmem_shared>>)
        tpu.yield
      }) : () -> ()
    } else {
    }
    %add3A_17 = arith.constant 16 : i32
    %add3A_18 = arith.addi %add3A_17, %arg1 : i32
    %lt3A_19 = arith.constant 125 : i32
    %lt3A_20 = arith.cmpi slt, %add3A_18, %lt3A_19 : i32
    %convert_element_type3A_21 = arith.extui %lt3A_20 : i1 to i32
    %cond3A_22 = arith.constant 0 : i32
    %cond3A_23 = arith.cmpi ne, %convert_element_type3A_21, %cond3A_22 : i32
    scf.if %cond3A_23 {
      %mul3A_162 = arith.constant 80 : i32
      %mul3A_163 = arith.muli %add3A_18, %mul3A_162 : i32
      "tpu.region"() ({
        %run_scoped3A = tpu.sem_alloc : memref<!tpu.dma_semaphore, #tpu.memory_space<semaphore_mem>>
        %dma_start3A_164 = arith.constant 0 : i32
        %dma_start3A_165 = tpu.memref_slice %arg8[%mul3A_163, %dma_start3A_164] : memref<10000x128xf32, #tpu.memory_space<vmem_shared>> -> memref<80x128xf32, #tpu.memory_space<vmem_shared>>
        %dma_start3A_166 = arith.constant 0 : i32
        %dma_start3A_167 = tpu.memref_slice %arg8[%mul3A_163, %dma_start3A_166] : memref<10000x128xf32, #tpu.memory_space<vmem_shared>> -> memref<80x128xf32, #tpu.memory_space<vmem_shared>>
        tpu.enqueue_dma source(%arg13 : memref<80x128xf32, #tpu.memory_space<vmem>>) target(%dma_start3A_167 : memref<80x128xf32, #tpu.memory_space<vmem_shared>>) target_semaphore(%run_scoped3A : memref<!tpu.dma_semaphore, #tpu.memory_space<semaphore_mem>>)
        %dma_wait3A_168 = arith.constant 0 : i32
        %dma_wait3A_169 = tpu.memref_slice %arg8[%mul3A_163, %dma_wait3A_168] : memref<10000x128xf32, #tpu.memory_space<vmem_shared>> -> memref<80x128xf32, #tpu.memory_space<vmem_shared>>
        %dma_wait3A_170 = arith.constant 0 : i32
        %dma_wait3A_171 = tpu.memref_slice %arg8[%mul3A_163, %dma_wait3A_170] : memref<10000x128xf32, #tpu.memory_space<vmem_shared>> -> memref<80x128xf32, #tpu.memory_space<vmem_shared>>
        tpu.wait_dma2 semaphore(%run_scoped3A : memref<!tpu.dma_semaphore, #tpu.memory_space<semaphore_mem>>) src(%arg13 : memref<80x128xf32, #tpu.memory_space<vmem>>) dst(%dma_wait3A_171 : memref<80x128xf32, #tpu.memory_space<vmem_shared>>)
        tpu.yield
      }) : () -> ()
    } else {
    }
    %add3A_24 = arith.constant 32 : i32
    %add3A_25 = arith.addi %add3A_24, %arg1 : i32
    %lt3A_26 = arith.constant 125 : i32
    %lt3A_27 = arith.cmpi slt, %add3A_25, %lt3A_26 : i32
    %convert_element_type3A_28 = arith.extui %lt3A_27 : i1 to i32
    %cond3A_29 = arith.constant 0 : i32
    %cond3A_30 = arith.cmpi ne, %convert_element_type3A_28, %cond3A_29 : i32
    scf.if %cond3A_30 {
      %mul3A_162 = arith.constant 80 : i32
      %mul3A_163 = arith.muli %add3A_25, %mul3A_162 : i32
      "tpu.region"() ({
        %run_scoped3A = tpu.sem_alloc : memref<!tpu.dma_semaphore, #tpu.memory_space<semaphore_mem>>
        %dma_start3A_164 = arith.constant 0 : i32
        %dma_start3A_165 = tpu.memref_slice %arg8[%mul3A_163, %dma_start3A_164] : memref<10000x128xf32, #tpu.memory_space<vmem_shared>> -> memref<80x128xf32, #tpu.memory_space<vmem_shared>>
        %dma_start3A_166 = arith.constant 0 : i32
        %dma_start3A_167 = tpu.memref_slice %arg8[%mul3A_163, %dma_start3A_166] : memref<10000x128xf32, #tpu.memory_space<vmem_shared>> -> memref<80x128xf32, #tpu.memory_space<vmem_shared>>
        tpu.enqueue_dma source(%arg13 : memref<80x128xf32, #tpu.memory_space<vmem>>) target(%dma_start3A_167 : memref<80x128xf32, #tpu.memory_space<vmem_shared>>) target_semaphore(%run_scoped3A : memref<!tpu.dma_semaphore, #tpu.memory_space<semaphore_mem>>)
        %dma_wait3A_168 = arith.constant 0 : i32
        %dma_wait3A_169 = tpu.memref_slice %arg8[%mul3A_163, %dma_wait3A_168] : memref<10000x128xf32, #tpu.memory_space<vmem_shared>> -> memref<80x128xf32, #tpu.memory_space<vmem_shared>>
        %dma_wait3A_170 = arith.constant 0 : i32
        %dma_wait3A_171 = tpu.memref_slice %arg8[%mul3A_163, %dma_wait3A_170] : memref<10000x128xf32, #tpu.memory_space<vmem_shared>> -> memref<80x128xf32, #tpu.memory_space<vmem_shared>>
        tpu.wait_dma2 semaphore(%run_scoped3A : memref<!tpu.dma_semaphore, #tpu.memory_space<semaphore_mem>>) src(%arg13 : memref<80x128xf32, #tpu.memory_space<vmem>>) dst(%dma_wait3A_171 : memref<80x128xf32, #tpu.memory_space<vmem_shared>>)
        tpu.yield
      }) : () -> ()
    } else {
    }
    %add3A_31 = arith.constant 48 : i32
    %add3A_32 = arith.addi %add3A_31, %arg1 : i32
    %lt3A_33 = arith.constant 125 : i32
    %lt3A_34 = arith.cmpi slt, %add3A_32, %lt3A_33 : i32
    %convert_element_type3A_35 = arith.extui %lt3A_34 : i1 to i32
    %cond3A_36 = arith.constant 0 : i32
    %cond3A_37 = arith.cmpi ne, %convert_element_type3A_35, %cond3A_36 : i32
    scf.if %cond3A_37 {
      %mul3A_162 = arith.constant 80 : i32
      %mul3A_163 = arith.muli %add3A_32, %mul3A_162 : i32
      "tpu.region"() ({
        %run_scoped3A = tpu.sem_alloc : memref<!tpu.dma_semaphore, #tpu.memory_space<semaphore_mem>>
        %dma_start3A_164 = arith.constant 0 : i32
        %dma_start3A_165 = tpu.memref_slice %arg8[%mul3A_163, %dma_start3A_164] : memref<10000x128xf32, #tpu.memory_space<vmem_shared>> -> memref<80x128xf32, #tpu.memory_space<vmem_shared>>
        %dma_start3A_166 = arith.constant 0 : i32
        %dma_start3A_167 = tpu.memref_slice %arg8[%mul3A_163, %dma_start3A_166] : memref<10000x128xf32, #tpu.memory_space<vmem_shared>> -> memref<80x128xf32, #tpu.memory_space<vmem_shared>>
        tpu.enqueue_dma source(%arg13 : memref<80x128xf32, #tpu.memory_space<vmem>>) target(%dma_start3A_167 : memref<80x128xf32, #tpu.memory_space<vmem_shared>>) target_semaphore(%run_scoped3A : memref<!tpu.dma_semaphore, #tpu.memory_space<semaphore_mem>>)
        %dma_wait3A_168 = arith.constant 0 : i32
        %dma_wait3A_169 = tpu.memref_slice %arg8[%mul3A_163, %dma_wait3A_168] : memref<10000x128xf32, #tpu.memory_space<vmem_shared>> -> memref<80x128xf32, #tpu.memory_space<vmem_shared>>
        %dma_wait3A_170 = arith.constant 0 : i32
        %dma_wait3A_171 = tpu.memref_slice %arg8[%mul3A_163, %dma_wait3A_170] : memref<10000x128xf32, #tpu.memory_space<vmem_shared>> -> memref<80x128xf32, #tpu.memory_space<vmem_shared>>
        tpu.wait_dma2 semaphore(%run_scoped3A : memref<!tpu.dma_semaphore, #tpu.memory_space<semaphore_mem>>) src(%arg13 : memref<80x128xf32, #tpu.memory_space<vmem>>) dst(%dma_wait3A_171 : memref<80x128xf32, #tpu.memory_space<vmem_shared>>)
        tpu.yield
      }) : () -> ()
    } else {
    }
    %add3A_38 = arith.constant 64 : i32
    %add3A_39 = arith.addi %add3A_38, %arg1 : i32
    %lt3A_40 = arith.constant 125 : i32
    %lt3A_41 = arith.cmpi slt, %add3A_39, %lt3A_40 : i32
    %convert_element_type3A_42 = arith.extui %lt3A_41 : i1 to i32
    %cond3A_43 = arith.constant 0 : i32
    %cond3A_44 = arith.cmpi ne, %convert_element_type3A_42, %cond3A_43 : i32
    scf.if %cond3A_44 {
      %mul3A_162 = arith.constant 80 : i32
      %mul3A_163 = arith.muli %add3A_39, %mul3A_162 : i32
      "tpu.region"() ({
        %run_scoped3A = tpu.sem_alloc : memref<!tpu.dma_semaphore, #tpu.memory_space<semaphore_mem>>
        %dma_start3A_164 = arith.constant 0 : i32
        %dma_start3A_165 = tpu.memref_slice %arg8[%mul3A_163, %dma_start3A_164] : memref<10000x128xf32, #tpu.memory_space<vmem_shared>> -> memref<80x128xf32, #tpu.memory_space<vmem_shared>>
        %dma_start3A_166 = arith.constant 0 : i32
        %dma_start3A_167 = tpu.memref_slice %arg8[%mul3A_163, %dma_start3A_166] : memref<10000x128xf32, #tpu.memory_space<vmem_shared>> -> memref<80x128xf32, #tpu.memory_space<vmem_shared>>
        tpu.enqueue_dma source(%arg13 : memref<80x128xf32, #tpu.memory_space<vmem>>) target(%dma_start3A_167 : memref<80x128xf32, #tpu.memory_space<vmem_shared>>) target_semaphore(%run_scoped3A : memref<!tpu.dma_semaphore, #tpu.memory_space<semaphore_mem>>)
        %dma_wait3A_168 = arith.constant 0 : i32
        %dma_wait3A_169 = tpu.memref_slice %arg8[%mul3A_163, %dma_wait3A_168] : memref<10000x128xf32, #tpu.memory_space<vmem_shared>> -> memref<80x128xf32, #tpu.memory_space<vmem_shared>>
        %dma_wait3A_170 = arith.constant 0 : i32
        %dma_wait3A_171 = tpu.memref_slice %arg8[%mul3A_163, %dma_wait3A_170] : memref<10000x128xf32, #tpu.memory_space<vmem_shared>> -> memref<80x128xf32, #tpu.memory_space<vmem_shared>>
        tpu.wait_dma2 semaphore(%run_scoped3A : memref<!tpu.dma_semaphore, #tpu.memory_space<semaphore_mem>>) src(%arg13 : memref<80x128xf32, #tpu.memory_space<vmem>>) dst(%dma_wait3A_171 : memref<80x128xf32, #tpu.memory_space<vmem_shared>>)
        tpu.yield
      }) : () -> ()
    } else {
    }
    %add3A_45 = arith.constant 80 : i32
    %add3A_46 = arith.addi %add3A_45, %arg1 : i32
    %lt3A_47 = arith.constant 125 : i32
    %lt3A_48 = arith.cmpi slt, %add3A_46, %lt3A_47 : i32
    %convert_element_type3A_49 = arith.extui %lt3A_48 : i1 to i32
    %cond3A_50 = arith.constant 0 : i32
    %cond3A_51 = arith.cmpi ne, %convert_element_type3A_49, %cond3A_50 : i32
    scf.if %cond3A_51 {
      %mul3A_162 = arith.constant 80 : i32
      %mul3A_163 = arith.muli %add3A_46, %mul3A_162 : i32
      "tpu.region"() ({
        %run_scoped3A = tpu.sem_alloc : memref<!tpu.dma_semaphore, #tpu.memory_space<semaphore_mem>>
        %dma_start3A_164 = arith.constant 0 : i32
        %dma_start3A_165 = tpu.memref_slice %arg8[%mul3A_163, %dma_start3A_164] : memref<10000x128xf32, #tpu.memory_space<vmem_shared>> -> memref<80x128xf32, #tpu.memory_space<vmem_shared>>
        %dma_start3A_166 = arith.constant 0 : i32
        %dma_start3A_167 = tpu.memref_slice %arg8[%mul3A_163, %dma_start3A_166] : memref<10000x128xf32, #tpu.memory_space<vmem_shared>> -> memref<80x128xf32, #tpu.memory_space<vmem_shared>>
        tpu.enqueue_dma source(%arg13 : memref<80x128xf32, #tpu.memory_space<vmem>>) target(%dma_start3A_167 : memref<80x128xf32, #tpu.memory_space<vmem_shared>>) target_semaphore(%run_scoped3A : memref<!tpu.dma_semaphore, #tpu.memory_space<semaphore_mem>>)
        %dma_wait3A_168 = arith.constant 0 : i32
        %dma_wait3A_169 = tpu.memref_slice %arg8[%mul3A_163, %dma_wait3A_168] : memref<10000x128xf32, #tpu.memory_space<vmem_shared>> -> memref<80x128xf32, #tpu.memory_space<vmem_shared>>
        %dma_wait3A_170 = arith.constant 0 : i32
        %dma_wait3A_171 = tpu.memref_slice %arg8[%mul3A_163, %dma_wait3A_170] : memref<10000x128xf32, #tpu.memory_space<vmem_shared>> -> memref<80x128xf32, #tpu.memory_space<vmem_shared>>
        tpu.wait_dma2 semaphore(%run_scoped3A : memref<!tpu.dma_semaphore, #tpu.memory_space<semaphore_mem>>) src(%arg13 : memref<80x128xf32, #tpu.memory_space<vmem>>) dst(%dma_wait3A_171 : memref<80x128xf32, #tpu.memory_space<vmem_shared>>)
        tpu.yield
      }) : () -> ()
    } else {
    }
    %add3A_52 = arith.constant 96 : i32
    %add3A_53 = arith.addi %add3A_52, %arg1 : i32
    %lt3A_54 = arith.constant 125 : i32
    %lt3A_55 = arith.cmpi slt, %add3A_53, %lt3A_54 : i32
    %convert_element_type3A_56 = arith.extui %lt3A_55 : i1 to i32
    %cond3A_57 = arith.constant 0 : i32
    %cond3A_58 = arith.cmpi ne, %convert_element_type3A_56, %cond3A_57 : i32
    scf.if %cond3A_58 {
      %mul3A_162 = arith.constant 80 : i32
      %mul3A_163 = arith.muli %add3A_53, %mul3A_162 : i32
      "tpu.region"() ({
        %run_scoped3A = tpu.sem_alloc : memref<!tpu.dma_semaphore, #tpu.memory_space<semaphore_mem>>
        %dma_start3A_164 = arith.constant 0 : i32
        %dma_start3A_165 = tpu.memref_slice %arg8[%mul3A_163, %dma_start3A_164] : memref<10000x128xf32, #tpu.memory_space<vmem_shared>> -> memref<80x128xf32, #tpu.memory_space<vmem_shared>>
        %dma_start3A_166 = arith.constant 0 : i32
        %dma_start3A_167 = tpu.memref_slice %arg8[%mul3A_163, %dma_start3A_166] : memref<10000x128xf32, #tpu.memory_space<vmem_shared>> -> memref<80x128xf32, #tpu.memory_space<vmem_shared>>
        tpu.enqueue_dma source(%arg13 : memref<80x128xf32, #tpu.memory_space<vmem>>) target(%dma_start3A_167 : memref<80x128xf32, #tpu.memory_space<vmem_shared>>) target_semaphore(%run_scoped3A : memref<!tpu.dma_semaphore, #tpu.memory_space<semaphore_mem>>)
        %dma_wait3A_168 = arith.constant 0 : i32
        %dma_wait3A_169 = tpu.memref_slice %arg8[%mul3A_163, %dma_wait3A_168] : memref<10000x128xf32, #tpu.memory_space<vmem_shared>> -> memref<80x128xf32, #tpu.memory_space<vmem_shared>>
        %dma_wait3A_170 = arith.constant 0 : i32
        %dma_wait3A_171 = tpu.memref_slice %arg8[%mul3A_163, %dma_wait3A_170] : memref<10000x128xf32, #tpu.memory_space<vmem_shared>> -> memref<80x128xf32, #tpu.memory_space<vmem_shared>>
        tpu.wait_dma2 semaphore(%run_scoped3A : memref<!tpu.dma_semaphore, #tpu.memory_space<semaphore_mem>>) src(%arg13 : memref<80x128xf32, #tpu.memory_space<vmem>>) dst(%dma_wait3A_171 : memref<80x128xf32, #tpu.memory_space<vmem_shared>>)
        tpu.yield
      }) : () -> ()
    } else {
    }
    %add3A_59 = arith.constant 112 : i32
    %add3A_60 = arith.addi %add3A_59, %arg1 : i32
    %lt3A_61 = arith.constant 125 : i32
    %lt3A_62 = arith.cmpi slt, %add3A_60, %lt3A_61 : i32
    %convert_element_type3A_63 = arith.extui %lt3A_62 : i1 to i32
    %cond3A_64 = arith.constant 0 : i32
    %cond3A_65 = arith.cmpi ne, %convert_element_type3A_63, %cond3A_64 : i32
    scf.if %cond3A_65 {
      %mul3A_162 = arith.constant 80 : i32
      %mul3A_163 = arith.muli %add3A_60, %mul3A_162 : i32
      "tpu.region"() ({
        %run_scoped3A = tpu.sem_alloc : memref<!tpu.dma_semaphore, #tpu.memory_space<semaphore_mem>>
        %dma_start3A_164 = arith.constant 0 : i32
        %dma_start3A_165 = tpu.memref_slice %arg8[%mul3A_163, %dma_start3A_164] : memref<10000x128xf32, #tpu.memory_space<vmem_shared>> -> memref<80x128xf32, #tpu.memory_space<vmem_shared>>
        %dma_start3A_166 = arith.constant 0 : i32
        %dma_start3A_167 = tpu.memref_slice %arg8[%mul3A_163, %dma_start3A_166] : memref<10000x128xf32, #tpu.memory_space<vmem_shared>> -> memref<80x128xf32, #tpu.memory_space<vmem_shared>>
        tpu.enqueue_dma source(%arg13 : memref<80x128xf32, #tpu.memory_space<vmem>>) target(%dma_start3A_167 : memref<80x128xf32, #tpu.memory_space<vmem_shared>>) target_semaphore(%run_scoped3A : memref<!tpu.dma_semaphore, #tpu.memory_space<semaphore_mem>>)
        %dma_wait3A_168 = arith.constant 0 : i32
        %dma_wait3A_169 = tpu.memref_slice %arg8[%mul3A_163, %dma_wait3A_168] : memref<10000x128xf32, #tpu.memory_space<vmem_shared>> -> memref<80x128xf32, #tpu.memory_space<vmem_shared>>
        %dma_wait3A_170 = arith.constant 0 : i32
        %dma_wait3A_171 = tpu.memref_slice %arg8[%mul3A_163, %dma_wait3A_170] : memref<10000x128xf32, #tpu.memory_space<vmem_shared>> -> memref<80x128xf32, #tpu.memory_space<vmem_shared>>
        tpu.wait_dma2 semaphore(%run_scoped3A : memref<!tpu.dma_semaphore, #tpu.memory_space<semaphore_mem>>) src(%arg13 : memref<80x128xf32, #tpu.memory_space<vmem>>) dst(%dma_wait3A_171 : memref<80x128xf32, #tpu.memory_space<vmem_shared>>)
        tpu.yield
      }) : () -> ()
    } else {
    }
    %barrier3A = arith.constant 0 : index
    tpu.barrier barrier_id(%barrier3A)
    %mul3A = arith.constant 10000 : i32
    %mul3A_66 = arith.muli %arg1, %mul3A : i32
    %mul3A_67 = arith.constant 160000 : i32
    %mul3A_68 = arith.muli %arg0, %mul3A_67 : i32
    %add3A_69 = arith.addi %mul3A_68, %mul3A_66 : i32
    %add3A_70 = arith.constant 0 : i32
    %add3A_71 = arith.addi %add3A_69, %add3A_70 : i32
    %dma_start3A = tpu.memref_slice %arg3[%add3A_71] : memref<320000xi32, #tpu.memory_space<hbm>> -> memref<80xi32, #tpu.memory_space<hbm>>
    %dma_start3A_72 = tpu.memref_slice %arg3[%add3A_71] : memref<320000xi32, #tpu.memory_space<hbm>> -> memref<80xi32, #tpu.memory_space<hbm>>
    tpu.enqueue_dma source(%dma_start3A_72 : memref<80xi32, #tpu.memory_space<hbm>>) target(%arg9 : memref<80xi32, #tpu.memory_space<vmem>>) target_semaphore(%arg18 : memref<!tpu.dma_semaphore, #tpu.memory_space<semaphore_mem>>)
    %add3A_73 = arith.constant 0 : i32
    %add3A_74 = arith.addi %mul3A_66, %add3A_73 : i32
    %dma_start3A_75 = tpu.memref_slice %arg4[%add3A_74] : memref<160000xi32, #tpu.memory_space<hbm>> -> memref<80xi32, #tpu.memory_space<hbm>>
    %dma_start3A_76 = tpu.memref_slice %arg4[%add3A_74] : memref<160000xi32, #tpu.memory_space<hbm>> -> memref<80xi32, #tpu.memory_space<hbm>>
    tpu.enqueue_dma source(%dma_start3A_76 : memref<80xi32, #tpu.memory_space<hbm>>) target(%arg11 : memref<80xi32, #tpu.memory_space<vmem>>) target_semaphore(%arg18 : memref<!tpu.dma_semaphore, #tpu.memory_space<semaphore_mem>>)
    %add3A_77 = arith.constant 0 : i32
    %add3A_78 = arith.addi %add3A_69, %add3A_77 : i32
    %dma_wait3A = tpu.memref_slice %arg3[%add3A_78] : memref<320000xi32, #tpu.memory_space<hbm>> -> memref<80xi32, #tpu.memory_space<hbm>>
    %dma_wait3A_79 = tpu.memref_slice %arg3[%add3A_78] : memref<320000xi32, #tpu.memory_space<hbm>> -> memref<80xi32, #tpu.memory_space<hbm>>
    tpu.wait_dma2 semaphore(%arg18 : memref<!tpu.dma_semaphore, #tpu.memory_space<semaphore_mem>>) src(%dma_wait3A_79 : memref<80xi32, #tpu.memory_space<hbm>>) dst(%arg9 : memref<80xi32, #tpu.memory_space<vmem>>)
    %add3A_80 = arith.constant 0 : i32
    %add3A_81 = arith.addi %mul3A_66, %add3A_80 : i32
    %dma_wait3A_82 = tpu.memref_slice %arg4[%add3A_81] : memref<160000xi32, #tpu.memory_space<hbm>> -> memref<80xi32, #tpu.memory_space<hbm>>
    %dma_wait3A_83 = tpu.memref_slice %arg4[%add3A_81] : memref<160000xi32, #tpu.memory_space<hbm>> -> memref<80xi32, #tpu.memory_space<hbm>>
    tpu.wait_dma2 semaphore(%arg18 : memref<!tpu.dma_semaphore, #tpu.memory_space<semaphore_mem>>) src(%dma_wait3A_83 : memref<80xi32, #tpu.memory_space<hbm>>) dst(%arg11 : memref<80xi32, #tpu.memory_space<vmem>>)
    %dma_start3A_84 = arith.constant 0 : i32
    %dma_start3A_85 = arith.constant 0 : i32
    %dma_start3A_86 = tpu.memref_slice %arg2[%dma_start3A_84, %dma_start3A_85] : memref<20000x128xf32, #tpu.memory_space<hbm>> -> memref<20000x128xf32, #tpu.memory_space<hbm>>
    tpu.enqueue_indirect_dma source(%dma_start3A_86 : memref<20000x128xf32, #tpu.memory_space<hbm>>) target(%arg13 : memref<80x128xf32, #tpu.memory_space<vmem>>) offsets(%arg9 : memref<80xi32, #tpu.memory_space<vmem>>) semaphore(%arg16 : memref<!tpu.dma_semaphore, #tpu.memory_space<semaphore_mem>>)
    %add3A_87 = arith.constant 80 : i32
    %add3A_88 = arith.addi %add3A_69, %add3A_87 : i32
    %dma_start3A_89 = tpu.memref_slice %arg3[%add3A_88] : memref<320000xi32, #tpu.memory_space<hbm>> -> memref<80xi32, #tpu.memory_space<hbm>>
    %dma_start3A_90 = tpu.memref_slice %arg3[%add3A_88] : memref<320000xi32, #tpu.memory_space<hbm>> -> memref<80xi32, #tpu.memory_space<hbm>>
    tpu.enqueue_dma source(%dma_start3A_90 : memref<80xi32, #tpu.memory_space<hbm>>) target(%arg10 : memref<80xi32, #tpu.memory_space<vmem>>) target_semaphore(%arg19 : memref<!tpu.dma_semaphore, #tpu.memory_space<semaphore_mem>>)
    %add3A_91 = arith.constant 80 : i32
    %add3A_92 = arith.addi %mul3A_66, %add3A_91 : i32
    %dma_start3A_93 = tpu.memref_slice %arg4[%add3A_92] : memref<160000xi32, #tpu.memory_space<hbm>> -> memref<80xi32, #tpu.memory_space<hbm>>
    %dma_start3A_94 = tpu.memref_slice %arg4[%add3A_92] : memref<160000xi32, #tpu.memory_space<hbm>> -> memref<80xi32, #tpu.memory_space<hbm>>
    tpu.enqueue_dma source(%dma_start3A_94 : memref<80xi32, #tpu.memory_space<hbm>>) target(%arg12 : memref<80xi32, #tpu.memory_space<vmem>>) target_semaphore(%arg19 : memref<!tpu.dma_semaphore, #tpu.memory_space<semaphore_mem>>)
    %scan3A_95 = arith.constant 0 : i32
    %scan3A_96 = arith.constant 0 : i32
    %scan3A_97 = arith.constant 63 : i32
    %scan3A_98 = arith.addi %scan3A_96, %scan3A_97 : i32
    %scan3A_99 = arith.constant 1 : i32
    scf.for %scan3A_162 = %scan3A_96 to %scan3A_98 step %scan3A_99  : i32 {
      %mul3A_163 = arith.constant 2 : i32
      %mul3A_164 = arith.muli %scan3A_162, %mul3A_163 : i32
      %add3A_165 = arith.constant 0 : i32
      %add3A_166 = arith.addi %mul3A_164, %add3A_165 : i32
      %lt3A_167 = arith.constant 125 : i32
      %lt3A_168 = arith.cmpi slt, %add3A_166, %lt3A_167 : i32
      %convert_element_type3A_169 = arith.extui %lt3A_168 : i1 to i32
      %cond3A_170 = arith.constant 0 : i32
      %cond3A_171 = arith.cmpi ne, %convert_element_type3A_169, %cond3A_170 : i32
      scf.if %cond3A_171 {
        %dma_wait3A_181 = arith.constant 0 : i32
        %dma_wait3A_182 = arith.constant 0 : i32
        %dma_wait3A_183 = tpu.memref_slice %arg2[%dma_wait3A_181, %dma_wait3A_182] : memref<20000x128xf32, #tpu.memory_space<hbm>> -> memref<20000x128xf32, #tpu.memory_space<hbm>>
        tpu.wait_indirect_dma semaphore(%arg16 : memref<!tpu.dma_semaphore, #tpu.memory_space<semaphore_mem>>) src(%dma_wait3A_183 : memref<20000x128xf32, #tpu.memory_space<hbm>>) dst(%arg13 : memref<80x128xf32, #tpu.memory_space<vmem>>)
        %add3A_184 = arith.constant 1 : i32
        %add3A_185 = arith.addi %add3A_166, %add3A_184 : i32
        %lt3A_186 = arith.constant 125 : i32
        %lt3A_187 = arith.cmpi slt, %add3A_185, %lt3A_186 : i32
        %convert_element_type3A_188 = arith.extui %lt3A_187 : i1 to i32
        %cond3A_189 = arith.constant 0 : i32
        %cond3A_190 = arith.cmpi ne, %convert_element_type3A_188, %cond3A_189 : i32
        scf.if %cond3A_190 {
          %add3A_203 = arith.constant 1 : i32
          %add3A_204 = arith.addi %add3A_166, %add3A_203 : i32
          %mul3A_205 = arith.constant 80 : i32
          %mul3A_206 = arith.muli %add3A_204, %mul3A_205 : i32
          %add3A_207 = arith.addi %add3A_69, %mul3A_206 : i32
          %dma_wait3A_208 = tpu.memref_slice %arg3[%add3A_207] : memref<320000xi32, #tpu.memory_space<hbm>> -> memref<80xi32, #tpu.memory_space<hbm>>
          %dma_wait3A_209 = tpu.memref_slice %arg3[%add3A_207] : memref<320000xi32, #tpu.memory_space<hbm>> -> memref<80xi32, #tpu.memory_space<hbm>>
          tpu.wait_dma2 semaphore(%arg19 : memref<!tpu.dma_semaphore, #tpu.memory_space<semaphore_mem>>) src(%dma_wait3A_209 : memref<80xi32, #tpu.memory_space<hbm>>) dst(%arg10 : memref<80xi32, #tpu.memory_space<vmem>>)
          %add3A_210 = arith.addi %mul3A_66, %mul3A_206 : i32
          %dma_wait3A_211 = tpu.memref_slice %arg4[%add3A_210] : memref<160000xi32, #tpu.memory_space<hbm>> -> memref<80xi32, #tpu.memory_space<hbm>>
          %dma_wait3A_212 = tpu.memref_slice %arg4[%add3A_210] : memref<160000xi32, #tpu.memory_space<hbm>> -> memref<80xi32, #tpu.memory_space<hbm>>
          tpu.wait_dma2 semaphore(%arg19 : memref<!tpu.dma_semaphore, #tpu.memory_space<semaphore_mem>>) src(%dma_wait3A_212 : memref<80xi32, #tpu.memory_space<hbm>>) dst(%arg12 : memref<80xi32, #tpu.memory_space<vmem>>)
          %dma_start3A_213 = arith.constant 0 : i32
          %dma_start3A_214 = arith.constant 0 : i32
          %dma_start3A_215 = tpu.memref_slice %arg2[%dma_start3A_213, %dma_start3A_214] : memref<20000x128xf32, #tpu.memory_space<hbm>> -> memref<20000x128xf32, #tpu.memory_space<hbm>>
          tpu.enqueue_indirect_dma source(%dma_start3A_215 : memref<20000x128xf32, #tpu.memory_space<hbm>>) target(%arg14 : memref<80x128xf32, #tpu.memory_space<vmem>>) offsets(%arg10 : memref<80xi32, #tpu.memory_space<vmem>>) semaphore(%arg17 : memref<!tpu.dma_semaphore, #tpu.memory_space<semaphore_mem>>)
        } else {
        }
        "tpu.region"() ({
          %run_scoped3A = tpu.sem_alloc : memref<!tpu.dma_semaphore, #tpu.memory_space<semaphore_mem>>
          %dma_start3A_203 = arith.constant 0 : i32
          %dma_start3A_204 = arith.constant 0 : i32
          %dma_start3A_205 = tpu.memref_slice %arg8[%dma_start3A_203, %dma_start3A_204] : memref<10000x128xf32, #tpu.memory_space<vmem_shared>> -> memref<10000x128xf32, #tpu.memory_space<vmem_shared>>
          tpu.enqueue_indirect_dma source(%arg13 : memref<80x128xf32, #tpu.memory_space<vmem>>) target(%dma_start3A_205 : memref<10000x128xf32, #tpu.memory_space<vmem_shared>>) offsets(%arg11 : memref<80xi32, #tpu.memory_space<vmem>>) semaphore(%run_scoped3A : memref<!tpu.dma_semaphore, #tpu.memory_space<semaphore_mem>>) {add = true}
          %dma_wait3A_206 = arith.constant 0 : i32
          %dma_wait3A_207 = arith.constant 0 : i32
          %dma_wait3A_208 = tpu.memref_slice %arg8[%dma_wait3A_206, %dma_wait3A_207] : memref<10000x128xf32, #tpu.memory_space<vmem_shared>> -> memref<10000x128xf32, #tpu.memory_space<vmem_shared>>
          tpu.wait_indirect_dma semaphore(%run_scoped3A : memref<!tpu.dma_semaphore, #tpu.memory_space<semaphore_mem>>) src(%arg13 : memref<80x128xf32, #tpu.memory_space<vmem>>) dst(%dma_wait3A_208 : memref<10000x128xf32, #tpu.memory_space<vmem_shared>>)
          tpu.yield
        }) : () -> ()
        %eq3A_191 = arith.constant 0 : i32
        %eq3A_192 = arith.cmpi eq, %arg0, %eq3A_191 : i32
        %convert_element_type3A_193 = arith.extui %eq3A_192 : i1 to i32
        %cond3A_194 = arith.constant 0 : i32
        %cond3A_195 = arith.cmpi ne, %convert_element_type3A_193, %cond3A_194 : i32
        scf.if %cond3A_195 {
          %get3A = arith.constant 0 : index
          %get3A_203 = tpu.vector_load %arg11[%get3A] {strides = array<i32>} : memref<80xi32, #tpu.memory_space<vmem>>, vector<16xi32>,
          tpu.vector_store_idx %arg15[%get3A_203], %broadcast_in_dim3A_2 {add = true} : memref<10000xf32, #tpu.memory_space<vmem>>[vector<16xi32>], vector<16xf32>,
          %get3A_204 = arith.constant 16 : index
          %get3A_205 = tpu.vector_load %arg11[%get3A_204] {strides = array<i32>} : memref<80xi32, #tpu.memory_space<vmem>>, vector<16xi32>,
          tpu.vector_store_idx %arg15[%get3A_205], %broadcast_in_dim3A_2 {add = true} : memref<10000xf32, #tpu.memory_space<vmem>>[vector<16xi32>], vector<16xf32>,
          %get3A_206 = arith.constant 32 : index
          %get3A_207 = tpu.vector_load %arg11[%get3A_206] {strides = array<i32>} : memref<80xi32, #tpu.memory_space<vmem>>, vector<16xi32>,
          tpu.vector_store_idx %arg15[%get3A_207], %broadcast_in_dim3A_2 {add = true} : memref<10000xf32, #tpu.memory_space<vmem>>[vector<16xi32>], vector<16xf32>,
          %get3A_208 = arith.constant 48 : index
          %get3A_209 = tpu.vector_load %arg11[%get3A_208] {strides = array<i32>} : memref<80xi32, #tpu.memory_space<vmem>>, vector<16xi32>,
          tpu.vector_store_idx %arg15[%get3A_209], %broadcast_in_dim3A_2 {add = true} : memref<10000xf32, #tpu.memory_space<vmem>>[vector<16xi32>], vector<16xf32>,
          %get3A_210 = arith.constant 64 : index
          %get3A_211 = tpu.vector_load %arg11[%get3A_210] {strides = array<i32>} : memref<80xi32, #tpu.memory_space<vmem>>, vector<16xi32>,
          tpu.vector_store_idx %arg15[%get3A_211], %broadcast_in_dim3A_2 {add = true} : memref<10000xf32, #tpu.memory_space<vmem>>[vector<16xi32>], vector<16xf32>,
        } else {
        }
        %add3A_196 = arith.constant 2 : i32
        %add3A_197 = arith.addi %add3A_166, %add3A_196 : i32
        %lt3A_198 = arith.constant 125 : i32
        %lt3A_199 = arith.cmpi slt, %add3A_197, %lt3A_198 : i32
        %convert_element_type3A_200 = arith.extui %lt3A_199 : i1 to i32
        %cond3A_201 = arith.constant 0 : i32
        %cond3A_202 = arith.cmpi ne, %convert_element_type3A_200, %cond3A_201 : i32
        scf.if %cond3A_202 {
          %add3A_203 = arith.constant 2 : i32
          %add3A_204 = arith.addi %add3A_166, %add3A_203 : i32
          %mul3A_205 = arith.constant 80 : i32
          %mul3A_206 = arith.muli %add3A_204, %mul3A_205 : i32
          %add3A_207 = arith.addi %add3A_69, %mul3A_206 : i32
          %dma_start3A_208 = tpu.memref_slice %arg3[%add3A_207] : memref<320000xi32, #tpu.memory_space<hbm>> -> memref<80xi32, #tpu.memory_space<hbm>>
          %dma_start3A_209 = tpu.memref_slice %arg3[%add3A_207] : memref<320000xi32, #tpu.memory_space<hbm>> -> memref<80xi32, #tpu.memory_space<hbm>>
          tpu.enqueue_dma source(%dma_start3A_209 : memref<80xi32, #tpu.memory_space<hbm>>) target(%arg9 : memref<80xi32, #tpu.memory_space<vmem>>) target_semaphore(%arg18 : memref<!tpu.dma_semaphore, #tpu.memory_space<semaphore_mem>>)
          %add3A_210 = arith.addi %mul3A_66, %mul3A_206 : i32
          %dma_start3A_211 = tpu.memref_slice %arg4[%add3A_210] : memref<160000xi32, #tpu.memory_space<hbm>> -> memref<80xi32, #tpu.memory_space<hbm>>
          %dma_start3A_212 = tpu.memref_slice %arg4[%add3A_210] : memref<160000xi32, #tpu.memory_space<hbm>> -> memref<80xi32, #tpu.memory_space<hbm>>
          tpu.enqueue_dma source(%dma_start3A_212 : memref<80xi32, #tpu.memory_space<hbm>>) target(%arg11 : memref<80xi32, #tpu.memory_space<vmem>>) target_semaphore(%arg18 : memref<!tpu.dma_semaphore, #tpu.memory_space<semaphore_mem>>)
        } else {
        }
      } else {
      }
      %mul3A_172 = arith.constant 2 : i32
      %mul3A_173 = arith.muli %scan3A_162, %mul3A_172 : i32
      %add3A_174 = arith.constant 1 : i32
      %add3A_175 = arith.addi %mul3A_173, %add3A_174 : i32
      %lt3A_176 = arith.constant 125 : i32
      %lt3A_177 = arith.cmpi slt, %add3A_175, %lt3A_176 : i32
      %convert_element_type3A_178 = arith.extui %lt3A_177 : i1 to i32
      %cond3A_179 = arith.constant 0 : i32
      %cond3A_180 = arith.cmpi ne, %convert_element_type3A_178, %cond3A_179 : i32
      scf.if %cond3A_180 {
        %dma_wait3A_181 = arith.constant 0 : i32
        %dma_wait3A_182 = arith.constant 0 : i32
        %dma_wait3A_183 = tpu.memref_slice %arg2[%dma_wait3A_181, %dma_wait3A_182] : memref<20000x128xf32, #tpu.memory_space<hbm>> -> memref<20000x128xf32, #tpu.memory_space<hbm>>
        tpu.wait_indirect_dma semaphore(%arg17 : memref<!tpu.dma_semaphore, #tpu.memory_space<semaphore_mem>>) src(%dma_wait3A_183 : memref<20000x128xf32, #tpu.memory_space<hbm>>) dst(%arg14 : memref<80x128xf32, #tpu.memory_space<vmem>>)
        %add3A_184 = arith.constant 1 : i32
        %add3A_185 = arith.addi %add3A_175, %add3A_184 : i32
        %lt3A_186 = arith.constant 125 : i32
        %lt3A_187 = arith.cmpi slt, %add3A_185, %lt3A_186 : i32
        %convert_element_type3A_188 = arith.extui %lt3A_187 : i1 to i32
        %cond3A_189 = arith.constant 0 : i32
        %cond3A_190 = arith.cmpi ne, %convert_element_type3A_188, %cond3A_189 : i32
        scf.if %cond3A_190 {
          %add3A_203 = arith.constant 1 : i32
          %add3A_204 = arith.addi %add3A_175, %add3A_203 : i32
          %mul3A_205 = arith.constant 80 : i32
          %mul3A_206 = arith.muli %add3A_204, %mul3A_205 : i32
          %add3A_207 = arith.addi %add3A_69, %mul3A_206 : i32
          %dma_wait3A_208 = tpu.memref_slice %arg3[%add3A_207] : memref<320000xi32, #tpu.memory_space<hbm>> -> memref<80xi32, #tpu.memory_space<hbm>>
          %dma_wait3A_209 = tpu.memref_slice %arg3[%add3A_207] : memref<320000xi32, #tpu.memory_space<hbm>> -> memref<80xi32, #tpu.memory_space<hbm>>
          tpu.wait_dma2 semaphore(%arg18 : memref<!tpu.dma_semaphore, #tpu.memory_space<semaphore_mem>>) src(%dma_wait3A_209 : memref<80xi32, #tpu.memory_space<hbm>>) dst(%arg9 : memref<80xi32, #tpu.memory_space<vmem>>)
          %add3A_210 = arith.addi %mul3A_66, %mul3A_206 : i32
          %dma_wait3A_211 = tpu.memref_slice %arg4[%add3A_210] : memref<160000xi32, #tpu.memory_space<hbm>> -> memref<80xi32, #tpu.memory_space<hbm>>
          %dma_wait3A_212 = tpu.memref_slice %arg4[%add3A_210] : memref<160000xi32, #tpu.memory_space<hbm>> -> memref<80xi32, #tpu.memory_space<hbm>>
          tpu.wait_dma2 semaphore(%arg18 : memref<!tpu.dma_semaphore, #tpu.memory_space<semaphore_mem>>) src(%dma_wait3A_212 : memref<80xi32, #tpu.memory_space<hbm>>) dst(%arg11 : memref<80xi32, #tpu.memory_space<vmem>>)
          %dma_start3A_213 = arith.constant 0 : i32
          %dma_start3A_214 = arith.constant 0 : i32
          %dma_start3A_215 = tpu.memref_slice %arg2[%dma_start3A_213, %dma_start3A_214] : memref<20000x128xf32, #tpu.memory_space<hbm>> -> memref<20000x128xf32, #tpu.memory_space<hbm>>
          tpu.enqueue_indirect_dma source(%dma_start3A_215 : memref<20000x128xf32, #tpu.memory_space<hbm>>) target(%arg13 : memref<80x128xf32, #tpu.memory_space<vmem>>) offsets(%arg9 : memref<80xi32, #tpu.memory_space<vmem>>) semaphore(%arg16 : memref<!tpu.dma_semaphore, #tpu.memory_space<semaphore_mem>>)
        } else {
        }
        "tpu.region"() ({
          %run_scoped3A = tpu.sem_alloc : memref<!tpu.dma_semaphore, #tpu.memory_space<semaphore_mem>>
          %dma_start3A_203 = arith.constant 0 : i32
          %dma_start3A_204 = arith.constant 0 : i32
          %dma_start3A_205 = tpu.memref_slice %arg8[%dma_start3A_203, %dma_start3A_204] : memref<10000x128xf32, #tpu.memory_space<vmem_shared>> -> memref<10000x128xf32, #tpu.memory_space<vmem_shared>>
          tpu.enqueue_indirect_dma source(%arg14 : memref<80x128xf32, #tpu.memory_space<vmem>>) target(%dma_start3A_205 : memref<10000x128xf32, #tpu.memory_space<vmem_shared>>) offsets(%arg12 : memref<80xi32, #tpu.memory_space<vmem>>) semaphore(%run_scoped3A : memref<!tpu.dma_semaphore, #tpu.memory_space<semaphore_mem>>) {add = true}
          %dma_wait3A_206 = arith.constant 0 : i32
          %dma_wait3A_207 = arith.constant 0 : i32
          %dma_wait3A_208 = tpu.memref_slice %arg8[%dma_wait3A_206, %dma_wait3A_207] : memref<10000x128xf32, #tpu.memory_space<vmem_shared>> -> memref<10000x128xf32, #tpu.memory_space<vmem_shared>>
          tpu.wait_indirect_dma semaphore(%run_scoped3A : memref<!tpu.dma_semaphore, #tpu.memory_space<semaphore_mem>>) src(%arg14 : memref<80x128xf32, #tpu.memory_space<vmem>>) dst(%dma_wait3A_208 : memref<10000x128xf32, #tpu.memory_space<vmem_shared>>)
          tpu.yield
        }) : () -> ()
        %eq3A_191 = arith.constant 0 : i32
        %eq3A_192 = arith.cmpi eq, %arg0, %eq3A_191 : i32
        %convert_element_type3A_193 = arith.extui %eq3A_192 : i1 to i32
        %cond3A_194 = arith.constant 0 : i32
        %cond3A_195 = arith.cmpi ne, %convert_element_type3A_193, %cond3A_194 : i32
        scf.if %cond3A_195 {
          %get3A = arith.constant 0 : index
          %get3A_203 = tpu.vector_load %arg12[%get3A] {strides = array<i32>} : memref<80xi32, #tpu.memory_space<vmem>>, vector<16xi32>,
          tpu.vector_store_idx %arg15[%get3A_203], %broadcast_in_dim3A_2 {add = true} : memref<10000xf32, #tpu.memory_space<vmem>>[vector<16xi32>], vector<16xf32>,
          %get3A_204 = arith.constant 16 : index
          %get3A_205 = tpu.vector_load %arg12[%get3A_204] {strides = array<i32>} : memref<80xi32, #tpu.memory_space<vmem>>, vector<16xi32>,
          tpu.vector_store_idx %arg15[%get3A_205], %broadcast_in_dim3A_2 {add = true} : memref<10000xf32, #tpu.memory_space<vmem>>[vector<16xi32>], vector<16xf32>,
          %get3A_206 = arith.constant 32 : index
          %get3A_207 = tpu.vector_load %arg12[%get3A_206] {strides = array<i32>} : memref<80xi32, #tpu.memory_space<vmem>>, vector<16xi32>,
          tpu.vector_store_idx %arg15[%get3A_207], %broadcast_in_dim3A_2 {add = true} : memref<10000xf32, #tpu.memory_space<vmem>>[vector<16xi32>], vector<16xf32>,
          %get3A_208 = arith.constant 48 : index
          %get3A_209 = tpu.vector_load %arg12[%get3A_208] {strides = array<i32>} : memref<80xi32, #tpu.memory_space<vmem>>, vector<16xi32>,
          tpu.vector_store_idx %arg15[%get3A_209], %broadcast_in_dim3A_2 {add = true} : memref<10000xf32, #tpu.memory_space<vmem>>[vector<16xi32>], vector<16xf32>,
          %get3A_210 = arith.constant 64 : index
          %get3A_211 = tpu.vector_load %arg12[%get3A_210] {strides = array<i32>} : memref<80xi32, #tpu.memory_space<vmem>>, vector<16xi32>,
          tpu.vector_store_idx %arg15[%get3A_211], %broadcast_in_dim3A_2 {add = true} : memref<10000xf32, #tpu.memory_space<vmem>>[vector<16xi32>], vector<16xf32>,
        } else {
        }
        %add3A_196 = arith.constant 2 : i32
        %add3A_197 = arith.addi %add3A_175, %add3A_196 : i32
        %lt3A_198 = arith.constant 125 : i32
        %lt3A_199 = arith.cmpi slt, %add3A_197, %lt3A_198 : i32
        %convert_element_type3A_200 = arith.extui %lt3A_199 : i1 to i32
        %cond3A_201 = arith.constant 0 : i32
        %cond3A_202 = arith.cmpi ne, %convert_element_type3A_200, %cond3A_201 : i32
        scf.if %cond3A_202 {
          %add3A_203 = arith.constant 2 : i32
          %add3A_204 = arith.addi %add3A_175, %add3A_203 : i32
          %mul3A_205 = arith.constant 80 : i32
          %mul3A_206 = arith.muli %add3A_204, %mul3A_205 : i32
          %add3A_207 = arith.addi %add3A_69, %mul3A_206 : i32
          %dma_start3A_208 = tpu.memref_slice %arg3[%add3A_207] : memref<320000xi32, #tpu.memory_space<hbm>> -> memref<80xi32, #tpu.memory_space<hbm>>
          %dma_start3A_209 = tpu.memref_slice %arg3[%add3A_207] : memref<320000xi32, #tpu.memory_space<hbm>> -> memref<80xi32, #tpu.memory_space<hbm>>
          tpu.enqueue_dma source(%dma_start3A_209 : memref<80xi32, #tpu.memory_space<hbm>>) target(%arg10 : memref<80xi32, #tpu.memory_space<vmem>>) target_semaphore(%arg19 : memref<!tpu.dma_semaphore, #tpu.memory_space<semaphore_mem>>)
          %add3A_210 = arith.addi %mul3A_66, %mul3A_206 : i32
          %dma_start3A_211 = tpu.memref_slice %arg4[%add3A_210] : memref<160000xi32, #tpu.memory_space<hbm>> -> memref<80xi32, #tpu.memory_space<hbm>>
          %dma_start3A_212 = tpu.memref_slice %arg4[%add3A_210] : memref<160000xi32, #tpu.memory_space<hbm>> -> memref<80xi32, #tpu.memory_space<hbm>>
          tpu.enqueue_dma source(%dma_start3A_212 : memref<80xi32, #tpu.memory_space<hbm>>) target(%arg12 : memref<80xi32, #tpu.memory_space<vmem>>) target_semaphore(%arg19 : memref<!tpu.dma_semaphore, #tpu.memory_space<semaphore_mem>>)
        } else {
        }
      } else {
      }
    }
    %scan3A_100 = arith.constant 63 : i32
    %eq3A = arith.constant 0 : i32
    %eq3A_101 = arith.cmpi eq, %arg0, %eq3A : i32
    %convert_element_type3A_102 = arith.extui %eq3A_101 : i1 to i32
    %cond3A_103 = arith.constant 0 : i32
    %cond3A_104 = arith.cmpi ne, %convert_element_type3A_102, %cond3A_103 : i32
    scf.if %cond3A_104 {
      %mul3A_162 = arith.constant 10240 : i32
      %mul3A_163 = arith.muli %arg1, %mul3A_162 : i32
      "tpu.region"() ({
        %run_scoped3A = tpu.sem_alloc : memref<!tpu.dma_semaphore, #tpu.memory_space<semaphore_mem>>
        %dma_start3A_164 = tpu.memref_slice %arg7[%mul3A_163] : memref<163840xf32, #tpu.memory_space<hbm>> -> memref<10000xf32, #tpu.memory_space<hbm>>
        %dma_start3A_165 = tpu.memref_slice %arg7[%mul3A_163] : memref<163840xf32, #tpu.memory_space<hbm>> -> memref<10000xf32, #tpu.memory_space<hbm>>
        tpu.enqueue_dma source(%arg15 : memref<10000xf32, #tpu.memory_space<vmem>>) target(%dma_start3A_165 : memref<10000xf32, #tpu.memory_space<hbm>>) target_semaphore(%run_scoped3A : memref<!tpu.dma_semaphore, #tpu.memory_space<semaphore_mem>>)
        %dma_wait3A_166 = tpu.memref_slice %arg7[%mul3A_163] : memref<163840xf32, #tpu.memory_space<hbm>> -> memref<10000xf32, #tpu.memory_space<hbm>>
        %dma_wait3A_167 = tpu.memref_slice %arg7[%mul3A_163] : memref<163840xf32, #tpu.memory_space<hbm>> -> memref<10000xf32, #tpu.memory_space<hbm>>
        tpu.wait_dma2 semaphore(%run_scoped3A : memref<!tpu.dma_semaphore, #tpu.memory_space<semaphore_mem>>) src(%arg15 : memref<10000xf32, #tpu.memory_space<vmem>>) dst(%dma_wait3A_167 : memref<10000xf32, #tpu.memory_space<hbm>>)
        tpu.yield
      }) : () -> ()
    } else {
    }
    %barrier3A_105 = arith.constant 0 : index
    tpu.barrier barrier_id(%barrier3A_105)
    %add3A_106 = arith.constant 0 : i32
    %add3A_107 = arith.addi %add3A_106, %arg1 : i32
    %lt3A_108 = arith.constant 125 : i32
    %lt3A_109 = arith.cmpi slt, %add3A_107, %lt3A_108 : i32
    %convert_element_type3A_110 = arith.extui %lt3A_109 : i1 to i32
    %cond3A_111 = arith.constant 0 : i32
    %cond3A_112 = arith.cmpi ne, %convert_element_type3A_110, %cond3A_111 : i32
    scf.if %cond3A_112 {
      %mul3A_162 = arith.constant 80 : i32
      %mul3A_163 = arith.muli %add3A_107, %mul3A_162 : i32
      %eq3A_164 = arith.constant 0 : i32
      %eq3A_165 = arith.cmpi eq, %arg0, %eq3A_164 : i32
      %convert_element_type3A_166 = arith.extui %eq3A_165 : i1 to i32
      %cond3A_167 = arith.constant 0 : i32
      %cond3A_168 = arith.cmpi ne, %convert_element_type3A_166, %cond3A_167 : i32
      scf.if %cond3A_168 {
        "tpu.region"() ({
          %run_scoped3A = tpu.sem_alloc : memref<!tpu.dma_semaphore, #tpu.memory_space<semaphore_mem>>
          %dma_start3A_174 = arith.constant 0 : i32
          %dma_start3A_175 = tpu.memref_slice %arg5[%mul3A_163, %dma_start3A_174] : memref<10000x128xf32, #tpu.memory_space<hbm>> -> memref<80x128xf32, #tpu.memory_space<hbm>>
          %dma_start3A_176 = arith.constant 0 : i32
          %dma_start3A_177 = tpu.memref_slice %arg8[%mul3A_163, %dma_start3A_176] : memref<10000x128xf32, #tpu.memory_space<vmem_shared>> -> memref<80x128xf32, #tpu.memory_space<vmem_shared>>
          tpu.enqueue_dma source(%dma_start3A_177 : memref<80x128xf32, #tpu.memory_space<vmem_shared>>) target(%dma_start3A_175 : memref<80x128xf32, #tpu.memory_space<hbm>>) target_semaphore(%run_scoped3A : memref<!tpu.dma_semaphore, #tpu.memory_space<semaphore_mem>>)
          %dma_wait3A_178 = arith.constant 0 : i32
          %dma_wait3A_179 = tpu.memref_slice %arg5[%mul3A_163, %dma_wait3A_178] : memref<10000x128xf32, #tpu.memory_space<hbm>> -> memref<80x128xf32, #tpu.memory_space<hbm>>
          %dma_wait3A_180 = arith.constant 0 : i32
          %dma_wait3A_181 = tpu.memref_slice %arg8[%mul3A_163, %dma_wait3A_180] : memref<10000x128xf32, #tpu.memory_space<vmem_shared>> -> memref<80x128xf32, #tpu.memory_space<vmem_shared>>
          tpu.wait_dma2 semaphore(%run_scoped3A : memref<!tpu.dma_semaphore, #tpu.memory_space<semaphore_mem>>) src(%dma_wait3A_181 : memref<80x128xf32, #tpu.memory_space<vmem_shared>>) dst(%dma_wait3A_179 : memref<80x128xf32, #tpu.memory_space<hbm>>)
          tpu.yield
        }) : () -> ()
      } else {
      }
      %eq3A_169 = arith.constant 1 : i32
      %eq3A_170 = arith.cmpi eq, %arg0, %eq3A_169 : i32
      %convert_element_type3A_171 = arith.extui %eq3A_170 : i1 to i32
      %cond3A_172 = arith.constant 0 : i32
      %cond3A_173 = arith.cmpi ne, %convert_element_type3A_171, %cond3A_172 : i32
      scf.if %cond3A_173 {
        "tpu.region"() ({
          %run_scoped3A = tpu.sem_alloc : memref<!tpu.dma_semaphore, #tpu.memory_space<semaphore_mem>>
          %dma_start3A_174 = arith.constant 0 : i32
          %dma_start3A_175 = tpu.memref_slice %arg6[%mul3A_163, %dma_start3A_174] : memref<10000x128xf32, #tpu.memory_space<hbm>> -> memref<80x128xf32, #tpu.memory_space<hbm>>
          %dma_start3A_176 = arith.constant 0 : i32
          %dma_start3A_177 = tpu.memref_slice %arg8[%mul3A_163, %dma_start3A_176] : memref<10000x128xf32, #tpu.memory_space<vmem_shared>> -> memref<80x128xf32, #tpu.memory_space<vmem_shared>>
          tpu.enqueue_dma source(%dma_start3A_177 : memref<80x128xf32, #tpu.memory_space<vmem_shared>>) target(%dma_start3A_175 : memref<80x128xf32, #tpu.memory_space<hbm>>) target_semaphore(%run_scoped3A : memref<!tpu.dma_semaphore, #tpu.memory_space<semaphore_mem>>)
          %dma_wait3A_178 = arith.constant 0 : i32
          %dma_wait3A_179 = tpu.memref_slice %arg6[%mul3A_163, %dma_wait3A_178] : memref<10000x128xf32, #tpu.memory_space<hbm>> -> memref<80x128xf32, #tpu.memory_space<hbm>>
          %dma_wait3A_180 = arith.constant 0 : i32
          %dma_wait3A_181 = tpu.memref_slice %arg8[%mul3A_163, %dma_wait3A_180] : memref<10000x128xf32, #tpu.memory_space<vmem_shared>> -> memref<80x128xf32, #tpu.memory_space<vmem_shared>>
          tpu.wait_dma2 semaphore(%run_scoped3A : memref<!tpu.dma_semaphore, #tpu.memory_space<semaphore_mem>>) src(%dma_wait3A_181 : memref<80x128xf32, #tpu.memory_space<vmem_shared>>) dst(%dma_wait3A_179 : memref<80x128xf32, #tpu.memory_space<hbm>>)
          tpu.yield
        }) : () -> ()
      } else {
      }
    } else {
    }
    %add3A_113 = arith.constant 16 : i32
    %add3A_114 = arith.addi %add3A_113, %arg1 : i32
    %lt3A_115 = arith.constant 125 : i32
    %lt3A_116 = arith.cmpi slt, %add3A_114, %lt3A_115 : i32
    %convert_element_type3A_117 = arith.extui %lt3A_116 : i1 to i32
    %cond3A_118 = arith.constant 0 : i32
    %cond3A_119 = arith.cmpi ne, %convert_element_type3A_117, %cond3A_118 : i32
    scf.if %cond3A_119 {
      %mul3A_162 = arith.constant 80 : i32
      %mul3A_163 = arith.muli %add3A_114, %mul3A_162 : i32
      %eq3A_164 = arith.constant 0 : i32
      %eq3A_165 = arith.cmpi eq, %arg0, %eq3A_164 : i32
      %convert_element_type3A_166 = arith.extui %eq3A_165 : i1 to i32
      %cond3A_167 = arith.constant 0 : i32
      %cond3A_168 = arith.cmpi ne, %convert_element_type3A_166, %cond3A_167 : i32
      scf.if %cond3A_168 {
        "tpu.region"() ({
          %run_scoped3A = tpu.sem_alloc : memref<!tpu.dma_semaphore, #tpu.memory_space<semaphore_mem>>
          %dma_start3A_174 = arith.constant 0 : i32
          %dma_start3A_175 = tpu.memref_slice %arg5[%mul3A_163, %dma_start3A_174] : memref<10000x128xf32, #tpu.memory_space<hbm>> -> memref<80x128xf32, #tpu.memory_space<hbm>>
          %dma_start3A_176 = arith.constant 0 : i32
          %dma_start3A_177 = tpu.memref_slice %arg8[%mul3A_163, %dma_start3A_176] : memref<10000x128xf32, #tpu.memory_space<vmem_shared>> -> memref<80x128xf32, #tpu.memory_space<vmem_shared>>
          tpu.enqueue_dma source(%dma_start3A_177 : memref<80x128xf32, #tpu.memory_space<vmem_shared>>) target(%dma_start3A_175 : memref<80x128xf32, #tpu.memory_space<hbm>>) target_semaphore(%run_scoped3A : memref<!tpu.dma_semaphore, #tpu.memory_space<semaphore_mem>>)
          %dma_wait3A_178 = arith.constant 0 : i32
          %dma_wait3A_179 = tpu.memref_slice %arg5[%mul3A_163, %dma_wait3A_178] : memref<10000x128xf32, #tpu.memory_space<hbm>> -> memref<80x128xf32, #tpu.memory_space<hbm>>
          %dma_wait3A_180 = arith.constant 0 : i32
          %dma_wait3A_181 = tpu.memref_slice %arg8[%mul3A_163, %dma_wait3A_180] : memref<10000x128xf32, #tpu.memory_space<vmem_shared>> -> memref<80x128xf32, #tpu.memory_space<vmem_shared>>
          tpu.wait_dma2 semaphore(%run_scoped3A : memref<!tpu.dma_semaphore, #tpu.memory_space<semaphore_mem>>) src(%dma_wait3A_181 : memref<80x128xf32, #tpu.memory_space<vmem_shared>>) dst(%dma_wait3A_179 : memref<80x128xf32, #tpu.memory_space<hbm>>)
          tpu.yield
        }) : () -> ()
      } else {
      }
      %eq3A_169 = arith.constant 1 : i32
      %eq3A_170 = arith.cmpi eq, %arg0, %eq3A_169 : i32
      %convert_element_type3A_171 = arith.extui %eq3A_170 : i1 to i32
      %cond3A_172 = arith.constant 0 : i32
      %cond3A_173 = arith.cmpi ne, %convert_element_type3A_171, %cond3A_172 : i32
      scf.if %cond3A_173 {
        "tpu.region"() ({
          %run_scoped3A = tpu.sem_alloc : memref<!tpu.dma_semaphore, #tpu.memory_space<semaphore_mem>>
          %dma_start3A_174 = arith.constant 0 : i32
          %dma_start3A_175 = tpu.memref_slice %arg6[%mul3A_163, %dma_start3A_174] : memref<10000x128xf32, #tpu.memory_space<hbm>> -> memref<80x128xf32, #tpu.memory_space<hbm>>
          %dma_start3A_176 = arith.constant 0 : i32
          %dma_start3A_177 = tpu.memref_slice %arg8[%mul3A_163, %dma_start3A_176] : memref<10000x128xf32, #tpu.memory_space<vmem_shared>> -> memref<80x128xf32, #tpu.memory_space<vmem_shared>>
          tpu.enqueue_dma source(%dma_start3A_177 : memref<80x128xf32, #tpu.memory_space<vmem_shared>>) target(%dma_start3A_175 : memref<80x128xf32, #tpu.memory_space<hbm>>) target_semaphore(%run_scoped3A : memref<!tpu.dma_semaphore, #tpu.memory_space<semaphore_mem>>)
          %dma_wait3A_178 = arith.constant 0 : i32
          %dma_wait3A_179 = tpu.memref_slice %arg6[%mul3A_163, %dma_wait3A_178] : memref<10000x128xf32, #tpu.memory_space<hbm>> -> memref<80x128xf32, #tpu.memory_space<hbm>>
          %dma_wait3A_180 = arith.constant 0 : i32
          %dma_wait3A_181 = tpu.memref_slice %arg8[%mul3A_163, %dma_wait3A_180] : memref<10000x128xf32, #tpu.memory_space<vmem_shared>> -> memref<80x128xf32, #tpu.memory_space<vmem_shared>>
          tpu.wait_dma2 semaphore(%run_scoped3A : memref<!tpu.dma_semaphore, #tpu.memory_space<semaphore_mem>>) src(%dma_wait3A_181 : memref<80x128xf32, #tpu.memory_space<vmem_shared>>) dst(%dma_wait3A_179 : memref<80x128xf32, #tpu.memory_space<hbm>>)
          tpu.yield
        }) : () -> ()
      } else {
      }
    } else {
    }
    %add3A_120 = arith.constant 32 : i32
    %add3A_121 = arith.addi %add3A_120, %arg1 : i32
    %lt3A_122 = arith.constant 125 : i32
    %lt3A_123 = arith.cmpi slt, %add3A_121, %lt3A_122 : i32
    %convert_element_type3A_124 = arith.extui %lt3A_123 : i1 to i32
    %cond3A_125 = arith.constant 0 : i32
    %cond3A_126 = arith.cmpi ne, %convert_element_type3A_124, %cond3A_125 : i32
    scf.if %cond3A_126 {
      %mul3A_162 = arith.constant 80 : i32
      %mul3A_163 = arith.muli %add3A_121, %mul3A_162 : i32
      %eq3A_164 = arith.constant 0 : i32
      %eq3A_165 = arith.cmpi eq, %arg0, %eq3A_164 : i32
      %convert_element_type3A_166 = arith.extui %eq3A_165 : i1 to i32
      %cond3A_167 = arith.constant 0 : i32
      %cond3A_168 = arith.cmpi ne, %convert_element_type3A_166, %cond3A_167 : i32
      scf.if %cond3A_168 {
        "tpu.region"() ({
          %run_scoped3A = tpu.sem_alloc : memref<!tpu.dma_semaphore, #tpu.memory_space<semaphore_mem>>
          %dma_start3A_174 = arith.constant 0 : i32
          %dma_start3A_175 = tpu.memref_slice %arg5[%mul3A_163, %dma_start3A_174] : memref<10000x128xf32, #tpu.memory_space<hbm>> -> memref<80x128xf32, #tpu.memory_space<hbm>>
          %dma_start3A_176 = arith.constant 0 : i32
          %dma_start3A_177 = tpu.memref_slice %arg8[%mul3A_163, %dma_start3A_176] : memref<10000x128xf32, #tpu.memory_space<vmem_shared>> -> memref<80x128xf32, #tpu.memory_space<vmem_shared>>
          tpu.enqueue_dma source(%dma_start3A_177 : memref<80x128xf32, #tpu.memory_space<vmem_shared>>) target(%dma_start3A_175 : memref<80x128xf32, #tpu.memory_space<hbm>>) target_semaphore(%run_scoped3A : memref<!tpu.dma_semaphore, #tpu.memory_space<semaphore_mem>>)
          %dma_wait3A_178 = arith.constant 0 : i32
          %dma_wait3A_179 = tpu.memref_slice %arg5[%mul3A_163, %dma_wait3A_178] : memref<10000x128xf32, #tpu.memory_space<hbm>> -> memref<80x128xf32, #tpu.memory_space<hbm>>
          %dma_wait3A_180 = arith.constant 0 : i32
          %dma_wait3A_181 = tpu.memref_slice %arg8[%mul3A_163, %dma_wait3A_180] : memref<10000x128xf32, #tpu.memory_space<vmem_shared>> -> memref<80x128xf32, #tpu.memory_space<vmem_shared>>
          tpu.wait_dma2 semaphore(%run_scoped3A : memref<!tpu.dma_semaphore, #tpu.memory_space<semaphore_mem>>) src(%dma_wait3A_181 : memref<80x128xf32, #tpu.memory_space<vmem_shared>>) dst(%dma_wait3A_179 : memref<80x128xf32, #tpu.memory_space<hbm>>)
          tpu.yield
        }) : () -> ()
      } else {
      }
      %eq3A_169 = arith.constant 1 : i32
      %eq3A_170 = arith.cmpi eq, %arg0, %eq3A_169 : i32
      %convert_element_type3A_171 = arith.extui %eq3A_170 : i1 to i32
      %cond3A_172 = arith.constant 0 : i32
      %cond3A_173 = arith.cmpi ne, %convert_element_type3A_171, %cond3A_172 : i32
      scf.if %cond3A_173 {
        "tpu.region"() ({
          %run_scoped3A = tpu.sem_alloc : memref<!tpu.dma_semaphore, #tpu.memory_space<semaphore_mem>>
          %dma_start3A_174 = arith.constant 0 : i32
          %dma_start3A_175 = tpu.memref_slice %arg6[%mul3A_163, %dma_start3A_174] : memref<10000x128xf32, #tpu.memory_space<hbm>> -> memref<80x128xf32, #tpu.memory_space<hbm>>
          %dma_start3A_176 = arith.constant 0 : i32
          %dma_start3A_177 = tpu.memref_slice %arg8[%mul3A_163, %dma_start3A_176] : memref<10000x128xf32, #tpu.memory_space<vmem_shared>> -> memref<80x128xf32, #tpu.memory_space<vmem_shared>>
          tpu.enqueue_dma source(%dma_start3A_177 : memref<80x128xf32, #tpu.memory_space<vmem_shared>>) target(%dma_start3A_175 : memref<80x128xf32, #tpu.memory_space<hbm>>) target_semaphore(%run_scoped3A : memref<!tpu.dma_semaphore, #tpu.memory_space<semaphore_mem>>)
          %dma_wait3A_178 = arith.constant 0 : i32
          %dma_wait3A_179 = tpu.memref_slice %arg6[%mul3A_163, %dma_wait3A_178] : memref<10000x128xf32, #tpu.memory_space<hbm>> -> memref<80x128xf32, #tpu.memory_space<hbm>>
          %dma_wait3A_180 = arith.constant 0 : i32
          %dma_wait3A_181 = tpu.memref_slice %arg8[%mul3A_163, %dma_wait3A_180] : memref<10000x128xf32, #tpu.memory_space<vmem_shared>> -> memref<80x128xf32, #tpu.memory_space<vmem_shared>>
          tpu.wait_dma2 semaphore(%run_scoped3A : memref<!tpu.dma_semaphore, #tpu.memory_space<semaphore_mem>>) src(%dma_wait3A_181 : memref<80x128xf32, #tpu.memory_space<vmem_shared>>) dst(%dma_wait3A_179 : memref<80x128xf32, #tpu.memory_space<hbm>>)
          tpu.yield
        }) : () -> ()
      } else {
      }
    } else {
    }
    %add3A_127 = arith.constant 48 : i32
    %add3A_128 = arith.addi %add3A_127, %arg1 : i32
    %lt3A_129 = arith.constant 125 : i32
    %lt3A_130 = arith.cmpi slt, %add3A_128, %lt3A_129 : i32
    %convert_element_type3A_131 = arith.extui %lt3A_130 : i1 to i32
    %cond3A_132 = arith.constant 0 : i32
    %cond3A_133 = arith.cmpi ne, %convert_element_type3A_131, %cond3A_132 : i32
    scf.if %cond3A_133 {
      %mul3A_162 = arith.constant 80 : i32
      %mul3A_163 = arith.muli %add3A_128, %mul3A_162 : i32
      %eq3A_164 = arith.constant 0 : i32
      %eq3A_165 = arith.cmpi eq, %arg0, %eq3A_164 : i32
      %convert_element_type3A_166 = arith.extui %eq3A_165 : i1 to i32
      %cond3A_167 = arith.constant 0 : i32
      %cond3A_168 = arith.cmpi ne, %convert_element_type3A_166, %cond3A_167 : i32
      scf.if %cond3A_168 {
        "tpu.region"() ({
          %run_scoped3A = tpu.sem_alloc : memref<!tpu.dma_semaphore, #tpu.memory_space<semaphore_mem>>
          %dma_start3A_174 = arith.constant 0 : i32
          %dma_start3A_175 = tpu.memref_slice %arg5[%mul3A_163, %dma_start3A_174] : memref<10000x128xf32, #tpu.memory_space<hbm>> -> memref<80x128xf32, #tpu.memory_space<hbm>>
          %dma_start3A_176 = arith.constant 0 : i32
          %dma_start3A_177 = tpu.memref_slice %arg8[%mul3A_163, %dma_start3A_176] : memref<10000x128xf32, #tpu.memory_space<vmem_shared>> -> memref<80x128xf32, #tpu.memory_space<vmem_shared>>
          tpu.enqueue_dma source(%dma_start3A_177 : memref<80x128xf32, #tpu.memory_space<vmem_shared>>) target(%dma_start3A_175 : memref<80x128xf32, #tpu.memory_space<hbm>>) target_semaphore(%run_scoped3A : memref<!tpu.dma_semaphore, #tpu.memory_space<semaphore_mem>>)
          %dma_wait3A_178 = arith.constant 0 : i32
          %dma_wait3A_179 = tpu.memref_slice %arg5[%mul3A_163, %dma_wait3A_178] : memref<10000x128xf32, #tpu.memory_space<hbm>> -> memref<80x128xf32, #tpu.memory_space<hbm>>
          %dma_wait3A_180 = arith.constant 0 : i32
          %dma_wait3A_181 = tpu.memref_slice %arg8[%mul3A_163, %dma_wait3A_180] : memref<10000x128xf32, #tpu.memory_space<vmem_shared>> -> memref<80x128xf32, #tpu.memory_space<vmem_shared>>
          tpu.wait_dma2 semaphore(%run_scoped3A : memref<!tpu.dma_semaphore, #tpu.memory_space<semaphore_mem>>) src(%dma_wait3A_181 : memref<80x128xf32, #tpu.memory_space<vmem_shared>>) dst(%dma_wait3A_179 : memref<80x128xf32, #tpu.memory_space<hbm>>)
          tpu.yield
        }) : () -> ()
      } else {
      }
      %eq3A_169 = arith.constant 1 : i32
      %eq3A_170 = arith.cmpi eq, %arg0, %eq3A_169 : i32
      %convert_element_type3A_171 = arith.extui %eq3A_170 : i1 to i32
      %cond3A_172 = arith.constant 0 : i32
      %cond3A_173 = arith.cmpi ne, %convert_element_type3A_171, %cond3A_172 : i32
      scf.if %cond3A_173 {
        "tpu.region"() ({
          %run_scoped3A = tpu.sem_alloc : memref<!tpu.dma_semaphore, #tpu.memory_space<semaphore_mem>>
          %dma_start3A_174 = arith.constant 0 : i32
          %dma_start3A_175 = tpu.memref_slice %arg6[%mul3A_163, %dma_start3A_174] : memref<10000x128xf32, #tpu.memory_space<hbm>> -> memref<80x128xf32, #tpu.memory_space<hbm>>
          %dma_start3A_176 = arith.constant 0 : i32
          %dma_start3A_177 = tpu.memref_slice %arg8[%mul3A_163, %dma_start3A_176] : memref<10000x128xf32, #tpu.memory_space<vmem_shared>> -> memref<80x128xf32, #tpu.memory_space<vmem_shared>>
          tpu.enqueue_dma source(%dma_start3A_177 : memref<80x128xf32, #tpu.memory_space<vmem_shared>>) target(%dma_start3A_175 : memref<80x128xf32, #tpu.memory_space<hbm>>) target_semaphore(%run_scoped3A : memref<!tpu.dma_semaphore, #tpu.memory_space<semaphore_mem>>)
          %dma_wait3A_178 = arith.constant 0 : i32
          %dma_wait3A_179 = tpu.memref_slice %arg6[%mul3A_163, %dma_wait3A_178] : memref<10000x128xf32, #tpu.memory_space<hbm>> -> memref<80x128xf32, #tpu.memory_space<hbm>>
          %dma_wait3A_180 = arith.constant 0 : i32
          %dma_wait3A_181 = tpu.memref_slice %arg8[%mul3A_163, %dma_wait3A_180] : memref<10000x128xf32, #tpu.memory_space<vmem_shared>> -> memref<80x128xf32, #tpu.memory_space<vmem_shared>>
          tpu.wait_dma2 semaphore(%run_scoped3A : memref<!tpu.dma_semaphore, #tpu.memory_space<semaphore_mem>>) src(%dma_wait3A_181 : memref<80x128xf32, #tpu.memory_space<vmem_shared>>) dst(%dma_wait3A_179 : memref<80x128xf32, #tpu.memory_space<hbm>>)
          tpu.yield
        }) : () -> ()
      } else {
      }
    } else {
    }
    %add3A_134 = arith.constant 64 : i32
    %add3A_135 = arith.addi %add3A_134, %arg1 : i32
    %lt3A_136 = arith.constant 125 : i32
    %lt3A_137 = arith.cmpi slt, %add3A_135, %lt3A_136 : i32
    %convert_element_type3A_138 = arith.extui %lt3A_137 : i1 to i32
    %cond3A_139 = arith.constant 0 : i32
    %cond3A_140 = arith.cmpi ne, %convert_element_type3A_138, %cond3A_139 : i32
    scf.if %cond3A_140 {
      %mul3A_162 = arith.constant 80 : i32
      %mul3A_163 = arith.muli %add3A_135, %mul3A_162 : i32
      %eq3A_164 = arith.constant 0 : i32
      %eq3A_165 = arith.cmpi eq, %arg0, %eq3A_164 : i32
      %convert_element_type3A_166 = arith.extui %eq3A_165 : i1 to i32
      %cond3A_167 = arith.constant 0 : i32
      %cond3A_168 = arith.cmpi ne, %convert_element_type3A_166, %cond3A_167 : i32
      scf.if %cond3A_168 {
        "tpu.region"() ({
          %run_scoped3A = tpu.sem_alloc : memref<!tpu.dma_semaphore, #tpu.memory_space<semaphore_mem>>
          %dma_start3A_174 = arith.constant 0 : i32
          %dma_start3A_175 = tpu.memref_slice %arg5[%mul3A_163, %dma_start3A_174] : memref<10000x128xf32, #tpu.memory_space<hbm>> -> memref<80x128xf32, #tpu.memory_space<hbm>>
          %dma_start3A_176 = arith.constant 0 : i32
          %dma_start3A_177 = tpu.memref_slice %arg8[%mul3A_163, %dma_start3A_176] : memref<10000x128xf32, #tpu.memory_space<vmem_shared>> -> memref<80x128xf32, #tpu.memory_space<vmem_shared>>
          tpu.enqueue_dma source(%dma_start3A_177 : memref<80x128xf32, #tpu.memory_space<vmem_shared>>) target(%dma_start3A_175 : memref<80x128xf32, #tpu.memory_space<hbm>>) target_semaphore(%run_scoped3A : memref<!tpu.dma_semaphore, #tpu.memory_space<semaphore_mem>>)
          %dma_wait3A_178 = arith.constant 0 : i32
          %dma_wait3A_179 = tpu.memref_slice %arg5[%mul3A_163, %dma_wait3A_178] : memref<10000x128xf32, #tpu.memory_space<hbm>> -> memref<80x128xf32, #tpu.memory_space<hbm>>
          %dma_wait3A_180 = arith.constant 0 : i32
          %dma_wait3A_181 = tpu.memref_slice %arg8[%mul3A_163, %dma_wait3A_180] : memref<10000x128xf32, #tpu.memory_space<vmem_shared>> -> memref<80x128xf32, #tpu.memory_space<vmem_shared>>
          tpu.wait_dma2 semaphore(%run_scoped3A : memref<!tpu.dma_semaphore, #tpu.memory_space<semaphore_mem>>) src(%dma_wait3A_181 : memref<80x128xf32, #tpu.memory_space<vmem_shared>>) dst(%dma_wait3A_179 : memref<80x128xf32, #tpu.memory_space<hbm>>)
          tpu.yield
        }) : () -> ()
      } else {
      }
      %eq3A_169 = arith.constant 1 : i32
      %eq3A_170 = arith.cmpi eq, %arg0, %eq3A_169 : i32
      %convert_element_type3A_171 = arith.extui %eq3A_170 : i1 to i32
      %cond3A_172 = arith.constant 0 : i32
      %cond3A_173 = arith.cmpi ne, %convert_element_type3A_171, %cond3A_172 : i32
      scf.if %cond3A_173 {
        "tpu.region"() ({
          %run_scoped3A = tpu.sem_alloc : memref<!tpu.dma_semaphore, #tpu.memory_space<semaphore_mem>>
          %dma_start3A_174 = arith.constant 0 : i32
          %dma_start3A_175 = tpu.memref_slice %arg6[%mul3A_163, %dma_start3A_174] : memref<10000x128xf32, #tpu.memory_space<hbm>> -> memref<80x128xf32, #tpu.memory_space<hbm>>
          %dma_start3A_176 = arith.constant 0 : i32
          %dma_start3A_177 = tpu.memref_slice %arg8[%mul3A_163, %dma_start3A_176] : memref<10000x128xf32, #tpu.memory_space<vmem_shared>> -> memref<80x128xf32, #tpu.memory_space<vmem_shared>>
          tpu.enqueue_dma source(%dma_start3A_177 : memref<80x128xf32, #tpu.memory_space<vmem_shared>>) target(%dma_start3A_175 : memref<80x128xf32, #tpu.memory_space<hbm>>) target_semaphore(%run_scoped3A : memref<!tpu.dma_semaphore, #tpu.memory_space<semaphore_mem>>)
          %dma_wait3A_178 = arith.constant 0 : i32
          %dma_wait3A_179 = tpu.memref_slice %arg6[%mul3A_163, %dma_wait3A_178] : memref<10000x128xf32, #tpu.memory_space<hbm>> -> memref<80x128xf32, #tpu.memory_space<hbm>>
          %dma_wait3A_180 = arith.constant 0 : i32
          %dma_wait3A_181 = tpu.memref_slice %arg8[%mul3A_163, %dma_wait3A_180] : memref<10000x128xf32, #tpu.memory_space<vmem_shared>> -> memref<80x128xf32, #tpu.memory_space<vmem_shared>>
          tpu.wait_dma2 semaphore(%run_scoped3A : memref<!tpu.dma_semaphore, #tpu.memory_space<semaphore_mem>>) src(%dma_wait3A_181 : memref<80x128xf32, #tpu.memory_space<vmem_shared>>) dst(%dma_wait3A_179 : memref<80x128xf32, #tpu.memory_space<hbm>>)
          tpu.yield
        }) : () -> ()
      } else {
      }
    } else {
    }
    %add3A_141 = arith.constant 80 : i32
    %add3A_142 = arith.addi %add3A_141, %arg1 : i32
    %lt3A_143 = arith.constant 125 : i32
    %lt3A_144 = arith.cmpi slt, %add3A_142, %lt3A_143 : i32
    %convert_element_type3A_145 = arith.extui %lt3A_144 : i1 to i32
    %cond3A_146 = arith.constant 0 : i32
    %cond3A_147 = arith.cmpi ne, %convert_element_type3A_145, %cond3A_146 : i32
    scf.if %cond3A_147 {
      %mul3A_162 = arith.constant 80 : i32
      %mul3A_163 = arith.muli %add3A_142, %mul3A_162 : i32
      %eq3A_164 = arith.constant 0 : i32
      %eq3A_165 = arith.cmpi eq, %arg0, %eq3A_164 : i32
      %convert_element_type3A_166 = arith.extui %eq3A_165 : i1 to i32
      %cond3A_167 = arith.constant 0 : i32
      %cond3A_168 = arith.cmpi ne, %convert_element_type3A_166, %cond3A_167 : i32
      scf.if %cond3A_168 {
        "tpu.region"() ({
          %run_scoped3A = tpu.sem_alloc : memref<!tpu.dma_semaphore, #tpu.memory_space<semaphore_mem>>
          %dma_start3A_174 = arith.constant 0 : i32
          %dma_start3A_175 = tpu.memref_slice %arg5[%mul3A_163, %dma_start3A_174] : memref<10000x128xf32, #tpu.memory_space<hbm>> -> memref<80x128xf32, #tpu.memory_space<hbm>>
          %dma_start3A_176 = arith.constant 0 : i32
          %dma_start3A_177 = tpu.memref_slice %arg8[%mul3A_163, %dma_start3A_176] : memref<10000x128xf32, #tpu.memory_space<vmem_shared>> -> memref<80x128xf32, #tpu.memory_space<vmem_shared>>
          tpu.enqueue_dma source(%dma_start3A_177 : memref<80x128xf32, #tpu.memory_space<vmem_shared>>) target(%dma_start3A_175 : memref<80x128xf32, #tpu.memory_space<hbm>>) target_semaphore(%run_scoped3A : memref<!tpu.dma_semaphore, #tpu.memory_space<semaphore_mem>>)
          %dma_wait3A_178 = arith.constant 0 : i32
          %dma_wait3A_179 = tpu.memref_slice %arg5[%mul3A_163, %dma_wait3A_178] : memref<10000x128xf32, #tpu.memory_space<hbm>> -> memref<80x128xf32, #tpu.memory_space<hbm>>
          %dma_wait3A_180 = arith.constant 0 : i32
          %dma_wait3A_181 = tpu.memref_slice %arg8[%mul3A_163, %dma_wait3A_180] : memref<10000x128xf32, #tpu.memory_space<vmem_shared>> -> memref<80x128xf32, #tpu.memory_space<vmem_shared>>
          tpu.wait_dma2 semaphore(%run_scoped3A : memref<!tpu.dma_semaphore, #tpu.memory_space<semaphore_mem>>) src(%dma_wait3A_181 : memref<80x128xf32, #tpu.memory_space<vmem_shared>>) dst(%dma_wait3A_179 : memref<80x128xf32, #tpu.memory_space<hbm>>)
          tpu.yield
        }) : () -> ()
      } else {
      }
      %eq3A_169 = arith.constant 1 : i32
      %eq3A_170 = arith.cmpi eq, %arg0, %eq3A_169 : i32
      %convert_element_type3A_171 = arith.extui %eq3A_170 : i1 to i32
      %cond3A_172 = arith.constant 0 : i32
      %cond3A_173 = arith.cmpi ne, %convert_element_type3A_171, %cond3A_172 : i32
      scf.if %cond3A_173 {
        "tpu.region"() ({
          %run_scoped3A = tpu.sem_alloc : memref<!tpu.dma_semaphore, #tpu.memory_space<semaphore_mem>>
          %dma_start3A_174 = arith.constant 0 : i32
          %dma_start3A_175 = tpu.memref_slice %arg6[%mul3A_163, %dma_start3A_174] : memref<10000x128xf32, #tpu.memory_space<hbm>> -> memref<80x128xf32, #tpu.memory_space<hbm>>
          %dma_start3A_176 = arith.constant 0 : i32
          %dma_start3A_177 = tpu.memref_slice %arg8[%mul3A_163, %dma_start3A_176] : memref<10000x128xf32, #tpu.memory_space<vmem_shared>> -> memref<80x128xf32, #tpu.memory_space<vmem_shared>>
          tpu.enqueue_dma source(%dma_start3A_177 : memref<80x128xf32, #tpu.memory_space<vmem_shared>>) target(%dma_start3A_175 : memref<80x128xf32, #tpu.memory_space<hbm>>) target_semaphore(%run_scoped3A : memref<!tpu.dma_semaphore, #tpu.memory_space<semaphore_mem>>)
          %dma_wait3A_178 = arith.constant 0 : i32
          %dma_wait3A_179 = tpu.memref_slice %arg6[%mul3A_163, %dma_wait3A_178] : memref<10000x128xf32, #tpu.memory_space<hbm>> -> memref<80x128xf32, #tpu.memory_space<hbm>>
          %dma_wait3A_180 = arith.constant 0 : i32
          %dma_wait3A_181 = tpu.memref_slice %arg8[%mul3A_163, %dma_wait3A_180] : memref<10000x128xf32, #tpu.memory_space<vmem_shared>> -> memref<80x128xf32, #tpu.memory_space<vmem_shared>>
          tpu.wait_dma2 semaphore(%run_scoped3A : memref<!tpu.dma_semaphore, #tpu.memory_space<semaphore_mem>>) src(%dma_wait3A_181 : memref<80x128xf32, #tpu.memory_space<vmem_shared>>) dst(%dma_wait3A_179 : memref<80x128xf32, #tpu.memory_space<hbm>>)
          tpu.yield
        }) : () -> ()
      } else {
      }
    } else {
    }
    %add3A_148 = arith.constant 96 : i32
    %add3A_149 = arith.addi %add3A_148, %arg1 : i32
    %lt3A_150 = arith.constant 125 : i32
    %lt3A_151 = arith.cmpi slt, %add3A_149, %lt3A_150 : i32
    %convert_element_type3A_152 = arith.extui %lt3A_151 : i1 to i32
    %cond3A_153 = arith.constant 0 : i32
    %cond3A_154 = arith.cmpi ne, %convert_element_type3A_152, %cond3A_153 : i32
    scf.if %cond3A_154 {
      %mul3A_162 = arith.constant 80 : i32
      %mul3A_163 = arith.muli %add3A_149, %mul3A_162 : i32
      %eq3A_164 = arith.constant 0 : i32
      %eq3A_165 = arith.cmpi eq, %arg0, %eq3A_164 : i32
      %convert_element_type3A_166 = arith.extui %eq3A_165 : i1 to i32
      %cond3A_167 = arith.constant 0 : i32
      %cond3A_168 = arith.cmpi ne, %convert_element_type3A_166, %cond3A_167 : i32
      scf.if %cond3A_168 {
        "tpu.region"() ({
          %run_scoped3A = tpu.sem_alloc : memref<!tpu.dma_semaphore, #tpu.memory_space<semaphore_mem>>
          %dma_start3A_174 = arith.constant 0 : i32
          %dma_start3A_175 = tpu.memref_slice %arg5[%mul3A_163, %dma_start3A_174] : memref<10000x128xf32, #tpu.memory_space<hbm>> -> memref<80x128xf32, #tpu.memory_space<hbm>>
          %dma_start3A_176 = arith.constant 0 : i32
          %dma_start3A_177 = tpu.memref_slice %arg8[%mul3A_163, %dma_start3A_176] : memref<10000x128xf32, #tpu.memory_space<vmem_shared>> -> memref<80x128xf32, #tpu.memory_space<vmem_shared>>
          tpu.enqueue_dma source(%dma_start3A_177 : memref<80x128xf32, #tpu.memory_space<vmem_shared>>) target(%dma_start3A_175 : memref<80x128xf32, #tpu.memory_space<hbm>>) target_semaphore(%run_scoped3A : memref<!tpu.dma_semaphore, #tpu.memory_space<semaphore_mem>>)
          %dma_wait3A_178 = arith.constant 0 : i32
          %dma_wait3A_179 = tpu.memref_slice %arg5[%mul3A_163, %dma_wait3A_178] : memref<10000x128xf32, #tpu.memory_space<hbm>> -> memref<80x128xf32, #tpu.memory_space<hbm>>
          %dma_wait3A_180 = arith.constant 0 : i32
          %dma_wait3A_181 = tpu.memref_slice %arg8[%mul3A_163, %dma_wait3A_180] : memref<10000x128xf32, #tpu.memory_space<vmem_shared>> -> memref<80x128xf32, #tpu.memory_space<vmem_shared>>
          tpu.wait_dma2 semaphore(%run_scoped3A : memref<!tpu.dma_semaphore, #tpu.memory_space<semaphore_mem>>) src(%dma_wait3A_181 : memref<80x128xf32, #tpu.memory_space<vmem_shared>>) dst(%dma_wait3A_179 : memref<80x128xf32, #tpu.memory_space<hbm>>)
          tpu.yield
        }) : () -> ()
      } else {
      }
      %eq3A_169 = arith.constant 1 : i32
      %eq3A_170 = arith.cmpi eq, %arg0, %eq3A_169 : i32
      %convert_element_type3A_171 = arith.extui %eq3A_170 : i1 to i32
      %cond3A_172 = arith.constant 0 : i32
      %cond3A_173 = arith.cmpi ne, %convert_element_type3A_171, %cond3A_172 : i32
      scf.if %cond3A_173 {
        "tpu.region"() ({
          %run_scoped3A = tpu.sem_alloc : memref<!tpu.dma_semaphore, #tpu.memory_space<semaphore_mem>>
          %dma_start3A_174 = arith.constant 0 : i32
          %dma_start3A_175 = tpu.memref_slice %arg6[%mul3A_163, %dma_start3A_174] : memref<10000x128xf32, #tpu.memory_space<hbm>> -> memref<80x128xf32, #tpu.memory_space<hbm>>
          %dma_start3A_176 = arith.constant 0 : i32
          %dma_start3A_177 = tpu.memref_slice %arg8[%mul3A_163, %dma_start3A_176] : memref<10000x128xf32, #tpu.memory_space<vmem_shared>> -> memref<80x128xf32, #tpu.memory_space<vmem_shared>>
          tpu.enqueue_dma source(%dma_start3A_177 : memref<80x128xf32, #tpu.memory_space<vmem_shared>>) target(%dma_start3A_175 : memref<80x128xf32, #tpu.memory_space<hbm>>) target_semaphore(%run_scoped3A : memref<!tpu.dma_semaphore, #tpu.memory_space<semaphore_mem>>)
          %dma_wait3A_178 = arith.constant 0 : i32
          %dma_wait3A_179 = tpu.memref_slice %arg6[%mul3A_163, %dma_wait3A_178] : memref<10000x128xf32, #tpu.memory_space<hbm>> -> memref<80x128xf32, #tpu.memory_space<hbm>>
          %dma_wait3A_180 = arith.constant 0 : i32
          %dma_wait3A_181 = tpu.memref_slice %arg8[%mul3A_163, %dma_wait3A_180] : memref<10000x128xf32, #tpu.memory_space<vmem_shared>> -> memref<80x128xf32, #tpu.memory_space<vmem_shared>>
          tpu.wait_dma2 semaphore(%run_scoped3A : memref<!tpu.dma_semaphore, #tpu.memory_space<semaphore_mem>>) src(%dma_wait3A_181 : memref<80x128xf32, #tpu.memory_space<vmem_shared>>) dst(%dma_wait3A_179 : memref<80x128xf32, #tpu.memory_space<hbm>>)
          tpu.yield
        }) : () -> ()
      } else {
      }
    } else {
    }
    %add3A_155 = arith.constant 112 : i32
    %add3A_156 = arith.addi %add3A_155, %arg1 : i32
    %lt3A_157 = arith.constant 125 : i32
    %lt3A_158 = arith.cmpi slt, %add3A_156, %lt3A_157 : i32
    %convert_element_type3A_159 = arith.extui %lt3A_158 : i1 to i32
    %cond3A_160 = arith.constant 0 : i32
    %cond3A_161 = arith.cmpi ne, %convert_element_type3A_159, %cond3A_160 : i32
    scf.if %cond3A_161 {
      %mul3A_162 = arith.constant 80 : i32
      %mul3A_163 = arith.muli %add3A_156, %mul3A_162 : i32
      %eq3A_164 = arith.constant 0 : i32
      %eq3A_165 = arith.cmpi eq, %arg0, %eq3A_164 : i32
      %convert_element_type3A_166 = arith.extui %eq3A_165 : i1 to i32
      %cond3A_167 = arith.constant 0 : i32
      %cond3A_168 = arith.cmpi ne, %convert_element_type3A_166, %cond3A_167 : i32
      scf.if %cond3A_168 {
        "tpu.region"() ({
          %run_scoped3A = tpu.sem_alloc : memref<!tpu.dma_semaphore, #tpu.memory_space<semaphore_mem>>
          %dma_start3A_174 = arith.constant 0 : i32
          %dma_start3A_175 = tpu.memref_slice %arg5[%mul3A_163, %dma_start3A_174] : memref<10000x128xf32, #tpu.memory_space<hbm>> -> memref<80x128xf32, #tpu.memory_space<hbm>>
          %dma_start3A_176 = arith.constant 0 : i32
          %dma_start3A_177 = tpu.memref_slice %arg8[%mul3A_163, %dma_start3A_176] : memref<10000x128xf32, #tpu.memory_space<vmem_shared>> -> memref<80x128xf32, #tpu.memory_space<vmem_shared>>
          tpu.enqueue_dma source(%dma_start3A_177 : memref<80x128xf32, #tpu.memory_space<vmem_shared>>) target(%dma_start3A_175 : memref<80x128xf32, #tpu.memory_space<hbm>>) target_semaphore(%run_scoped3A : memref<!tpu.dma_semaphore, #tpu.memory_space<semaphore_mem>>)
          %dma_wait3A_178 = arith.constant 0 : i32
          %dma_wait3A_179 = tpu.memref_slice %arg5[%mul3A_163, %dma_wait3A_178] : memref<10000x128xf32, #tpu.memory_space<hbm>> -> memref<80x128xf32, #tpu.memory_space<hbm>>
          %dma_wait3A_180 = arith.constant 0 : i32
          %dma_wait3A_181 = tpu.memref_slice %arg8[%mul3A_163, %dma_wait3A_180] : memref<10000x128xf32, #tpu.memory_space<vmem_shared>> -> memref<80x128xf32, #tpu.memory_space<vmem_shared>>
          tpu.wait_dma2 semaphore(%run_scoped3A : memref<!tpu.dma_semaphore, #tpu.memory_space<semaphore_mem>>) src(%dma_wait3A_181 : memref<80x128xf32, #tpu.memory_space<vmem_shared>>) dst(%dma_wait3A_179 : memref<80x128xf32, #tpu.memory_space<hbm>>)
          tpu.yield
        }) : () -> ()
      } else {
      }
      %eq3A_169 = arith.constant 1 : i32
      %eq3A_170 = arith.cmpi eq, %arg0, %eq3A_169 : i32
      %convert_element_type3A_171 = arith.extui %eq3A_170 : i1 to i32
      %cond3A_172 = arith.constant 0 : i32
      %cond3A_173 = arith.cmpi ne, %convert_element_type3A_171, %cond3A_172 : i32
      scf.if %cond3A_173 {
        "tpu.region"() ({
          %run_scoped3A = tpu.sem_alloc : memref<!tpu.dma_semaphore, #tpu.memory_space<semaphore_mem>>
          %dma_start3A_174 = arith.constant 0 : i32
          %dma_start3A_175 = tpu.memref_slice %arg6[%mul3A_163, %dma_start3A_174] : memref<10000x128xf32, #tpu.memory_space<hbm>> -> memref<80x128xf32, #tpu.memory_space<hbm>>
          %dma_start3A_176 = arith.constant 0 : i32
          %dma_start3A_177 = tpu.memref_slice %arg8[%mul3A_163, %dma_start3A_176] : memref<10000x128xf32, #tpu.memory_space<vmem_shared>> -> memref<80x128xf32, #tpu.memory_space<vmem_shared>>
          tpu.enqueue_dma source(%dma_start3A_177 : memref<80x128xf32, #tpu.memory_space<vmem_shared>>) target(%dma_start3A_175 : memref<80x128xf32, #tpu.memory_space<hbm>>) target_semaphore(%run_scoped3A : memref<!tpu.dma_semaphore, #tpu.memory_space<semaphore_mem>>)
          %dma_wait3A_178 = arith.constant 0 : i32
          %dma_wait3A_179 = tpu.memref_slice %arg6[%mul3A_163, %dma_wait3A_178] : memref<10000x128xf32, #tpu.memory_space<hbm>> -> memref<80x128xf32, #tpu.memory_space<hbm>>
          %dma_wait3A_180 = arith.constant 0 : i32
          %dma_wait3A_181 = tpu.memref_slice %arg8[%mul3A_163, %dma_wait3A_180] : memref<10000x128xf32, #tpu.memory_space<vmem_shared>> -> memref<80x128xf32, #tpu.memory_space<vmem_shared>>
          tpu.wait_dma2 semaphore(%run_scoped3A : memref<!tpu.dma_semaphore, #tpu.memory_space<semaphore_mem>>) src(%dma_wait3A_181 : memref<80x128xf32, #tpu.memory_space<vmem_shared>>) dst(%dma_wait3A_179 : memref<80x128xf32, #tpu.memory_space<hbm>>)
          tpu.yield
        }) : () -> ()
      } else {
      }
    } else {
    }
    return
  }
}

module attributes {stable_mosaic.version = 14 : i64} {
  func.func @_tc_body(%arg0: i32, %arg1: memref<2000x256xf32, #tpu.memory_space<vmem>>, %arg2: memref<2000x128xf32, #tpu.memory_space<vmem>>, %arg3: memref<2000x128xf32, #tpu.memory_space<vmem>>, %arg4: memref<2000x16xf32, #tpu.memory_space<vmem>>, %arg5: memref<256x256xf32, #tpu.memory_space<vmem>>, %arg6: memref<128x256xf32, #tpu.memory_space<vmem>>, %arg7: memref<128x256xf32, #tpu.memory_space<vmem>>, %arg8: memref<1x256xf32, #tpu.memory_space<vmem>>, %arg9: memref<2000x256xf32, #tpu.memory_space<vmem>>) attributes {dimension_semantics = [#tpu.dimension_semantics<arbitrary>], iteration_bounds = array<i64: 5>, scalar_prefetch = 0 : i64, scratch_operands = 0 : i64, tpu.core_type = #tpu.core_type<tc>, window_params = [{transform_indices = @transform_0, window_bounds = array<i64: 2000, 256>}, {transform_indices = @transform_1, window_bounds = array<i64: 2000, 128>}, {transform_indices = @transform_2, window_bounds = array<i64: 2000, 128>}, {transform_indices = @transform_3, window_bounds = array<i64: 2000, 16>}, {pipeline_mode = #tpu.pipeline_mode<synchronous>, transform_indices = @transform_4, window_bounds = array<i64: 256, 256>}, {pipeline_mode = #tpu.pipeline_mode<synchronous>, transform_indices = @transform_5, window_bounds = array<i64: 128, 256>}, {pipeline_mode = #tpu.pipeline_mode<synchronous>, transform_indices = @transform_6, window_bounds = array<i64: 128, 256>}, {pipeline_mode = #tpu.pipeline_mode<synchronous>, transform_indices = @transform_7, window_bounds = array<i64: 1, 256>}, {transform_indices = @transform_8, window_bounds = array<i64: 2000, 256>}]} {
    %get3A = arith.constant 0 : index
    %get3A_0 = arith.constant 0 : index
    %get3A_1 = vector.load %arg4[%get3A, %get3A_0] : memref<2000x16xf32, #tpu.memory_space<vmem>>, vector<2000x16xf32>
    %reduce_sum3A = arith.constant dense<0.000000e+00> : vector<2000xf32>
    %reduce_sum3A_2 = vector.multi_reduction <add>, %get3A_1, %reduce_sum3A [1] : vector<2000x16xf32> to vector<2000xf32>
    %max3A = arith.constant 1.000000e+00 : f32
    %max3A_3 = vector.broadcast %max3A : f32 to vector<2000xf32>
    %max3A_4 = arith.maximumf %reduce_sum3A_2, %max3A_3 : vector<2000xf32>
    %div3A = arith.constant 1.000000e+00 : f32
    %div3A_5 = vector.broadcast %div3A : f32 to vector<2000xf32>
    %div3A_6 = arith.divf %div3A_5, %max3A_4 : vector<2000xf32>
    %broadcast_in_dim3A = vector.shape_cast %div3A_6 : vector<2000xf32> to vector<2000x1xf32>
    %get3A_7 = arith.constant 0 : index
    %get3A_8 = arith.constant 0 : index
    %get3A_9 = vector.load %arg1[%get3A_7, %get3A_8] : memref<2000x256xf32, #tpu.memory_space<vmem>>, vector<2000x256xf32>
    %get3A_10 = arith.constant 0 : index
    %get3A_11 = arith.constant 0 : index
    %get3A_12 = vector.load %arg5[%get3A_10, %get3A_11] : memref<256x256xf32, #tpu.memory_space<vmem>>, vector<256x256xf32>
    %dot_general3A = arith.constant dense<0.000000e+00> : vector<2000x256xf32>
    %dot_general3A_13 = tpu.matmul %get3A_9, %get3A_12, %dot_general3A {dimension_numbers = #tpu.dot_dimension_numbers<[1], [0], [0], [1], [0, 0, 1, 1], [], []>, transpose_lhs_hint = false} : vector<2000x256xf32>, vector<256x256xf32>, vector<2000x256xf32> -> vector<2000x256xf32>
    %get3A_14 = arith.constant 0 : index
    %get3A_15 = arith.constant 0 : index
    %get3A_16 = vector.load %arg2[%get3A_14, %get3A_15] : memref<2000x128xf32, #tpu.memory_space<vmem>>, vector<2000x128xf32>
    %mul3A = vector.broadcast %broadcast_in_dim3A : vector<2000x1xf32> to vector<2000x128xf32>
    %mul3A_17 = arith.mulf %get3A_16, %mul3A : vector<2000x128xf32>
    %get3A_18 = arith.constant 0 : index
    %get3A_19 = arith.constant 0 : index
    %get3A_20 = vector.load %arg6[%get3A_18, %get3A_19] : memref<128x256xf32, #tpu.memory_space<vmem>>, vector<128x256xf32>
    %dot_general3A_21 = arith.constant dense<0.000000e+00> : vector<2000x256xf32>
    %dot_general3A_22 = tpu.matmul %mul3A_17, %get3A_20, %dot_general3A_21 {dimension_numbers = #tpu.dot_dimension_numbers<[1], [0], [0], [1], [0, 0, 1, 1], [], []>, transpose_lhs_hint = false} : vector<2000x128xf32>, vector<128x256xf32>, vector<2000x256xf32> -> vector<2000x256xf32>
    %add3A = arith.addf %dot_general3A_13, %dot_general3A_22 : vector<2000x256xf32>
    %get3A_23 = arith.constant 0 : index
    %get3A_24 = arith.constant 0 : index
    %get3A_25 = vector.load %arg3[%get3A_23, %get3A_24] : memref<2000x128xf32, #tpu.memory_space<vmem>>, vector<2000x128xf32>
    %mul3A_26 = vector.broadcast %broadcast_in_dim3A : vector<2000x1xf32> to vector<2000x128xf32>
    %mul3A_27 = arith.mulf %get3A_25, %mul3A_26 : vector<2000x128xf32>
    %get3A_28 = arith.constant 0 : index
    %get3A_29 = arith.constant 0 : index
    %get3A_30 = vector.load %arg7[%get3A_28, %get3A_29] : memref<128x256xf32, #tpu.memory_space<vmem>>, vector<128x256xf32>
    %dot_general3A_31 = arith.constant dense<0.000000e+00> : vector<2000x256xf32>
    %dot_general3A_32 = tpu.matmul %mul3A_27, %get3A_30, %dot_general3A_31 {dimension_numbers = #tpu.dot_dimension_numbers<[1], [0], [0], [1], [0, 0, 1, 1], [], []>, transpose_lhs_hint = false} : vector<2000x128xf32>, vector<128x256xf32>, vector<2000x256xf32> -> vector<2000x256xf32>
    %add3A_33 = arith.addf %add3A, %dot_general3A_32 : vector<2000x256xf32>
    %get3A_34 = arith.constant 0 : index
    %get3A_35 = arith.constant 0 : index
    %get3A_36 = vector.load %arg8[%get3A_34, %get3A_35] : memref<1x256xf32, #tpu.memory_space<vmem>>, vector<1x256xf32>
    %add3A_37 = vector.broadcast %get3A_36 : vector<1x256xf32> to vector<2000x256xf32>
    %add3A_38 = arith.addf %add3A_33, %add3A_37 : vector<2000x256xf32>
    %swap3A = arith.constant 0 : index
    %swap3A_39 = arith.constant 0 : index
    %swap3A_40 = vector.load %arg9[%swap3A, %swap3A_39] : memref<2000x256xf32, #tpu.memory_space<vmem>>, vector<2000x256xf32>
    tpu.vector_store %arg9[%swap3A, %swap3A_39], %add3A_38 {strides = array<i32>} : memref<2000x256xf32, #tpu.memory_space<vmem>>, vector<2000x256xf32>,
    return
  }
  func.func @transform_0(%arg0: i32) -> (i32, i32) {
    %c0_i32 = arith.constant 0 : i32
    %c0_i32_0 = arith.constant 0 : i32
    return %arg0, %c0_i32 : i32, i32
  }
  func.func @transform_1(%arg0: i32) -> (i32, i32) {
    %c0_i32 = arith.constant 0 : i32
    %c0_i32_0 = arith.constant 0 : i32
    return %arg0, %c0_i32 : i32, i32
  }
  func.func @transform_2(%arg0: i32) -> (i32, i32) {
    %c0_i32 = arith.constant 0 : i32
    %c0_i32_0 = arith.constant 0 : i32
    return %arg0, %c0_i32 : i32, i32
  }
  func.func @transform_3(%arg0: i32) -> (i32, i32) {
    %c0_i32 = arith.constant 0 : i32
    %c0_i32_0 = arith.constant 0 : i32
    return %arg0, %c0_i32 : i32, i32
  }
  func.func @transform_4(%arg0: i32) -> (i32, i32) {
    %c0_i32 = arith.constant 0 : i32
    %c0_i32_0 = arith.constant 0 : i32
    %c0_i32_1 = arith.constant 0 : i32
    return %c0_i32, %c0_i32_0 : i32, i32
  }
  func.func @transform_5(%arg0: i32) -> (i32, i32) {
    %c0_i32 = arith.constant 0 : i32
    %c0_i32_0 = arith.constant 0 : i32
    %c0_i32_1 = arith.constant 0 : i32
    return %c0_i32, %c0_i32_0 : i32, i32
  }
  func.func @transform_6(%arg0: i32) -> (i32, i32) {
    %c0_i32 = arith.constant 0 : i32
    %c0_i32_0 = arith.constant 0 : i32
    %c0_i32_1 = arith.constant 0 : i32
    return %c0_i32, %c0_i32_0 : i32, i32
  }
  func.func @transform_7(%arg0: i32) -> (i32, i32) {
    %c0_i32 = arith.constant 0 : i32
    %c0_i32_0 = arith.constant 0 : i32
    %c0_i32_1 = arith.constant 0 : i32
    return %c0_i32, %c0_i32_0 : i32, i32
  }
  func.func @transform_8(%arg0: i32) -> (i32, i32) {
    %c0_i32 = arith.constant 0 : i32
    %c0_i32_0 = arith.constant 0 : i32
    return %arg0, %c0_i32 : i32, i32
  }
}

</mosaic_0001>

<sc_bundles>
// kernel: kernel.4.cloned.1.call-start
scs
__scs_entry_jumppad:
0x0: {  	(pc) =	sbr.rel $0x88, $3  }
0x1: {  	(tag) =	ssettag $0x0;
	lr =	simm.s32 $0x1  }
0x2: {  	[smem:$0x3F9C] =	sst lr;
	_ =	strace $0xD0000000  }
0x3: {  	_ = 	snop  }
0x4: {  	_ = 	snop  }
0x5: {  	_ = 	snop  }
0x6: {  	_ = 	snop  }
0x7: {  	_ = 	snop  }
__scs_overlays_trampoline_lowered:
0x8: {  	[smem:$0x3FAB] =	sst s0  }
0x9: {  	[smem:$0x3FAC] =	sst s1  }
0xa: {  	[smem:$0x3FAD] =	sst s2  }
0xb: {  	[smem:$0x3FAE] =	sst s3  }
0xc: {  	[smem:$0x3FAF] =	sst s4  }
0xd: {  	[smem:$0x3FB0] =	sst s5  }
0xe: {  	[smem:$0x3FB1] =	sst s6  }
0xf: {  	[smem:$0x3FB2] =	sst s7  }
0x10: {  	[smem:$0x3FB3] =	sst s8  }
0x11: {  	[smem:$0x3FB4] =	sst s9;
	s0 =	simm.s32 @!p0 $0x0  }
0x12: {  	s1 =	sld [smem:$0x3F9A];
	s0 =	simm.s32 @p0 $0x1  }
0x13: {  	[smem:$0x3FB5] =	sst s0;
	s0 =	simm.s32 @!p1 $0x0  }
0x14: {  	s2 =	sld [smem:$0x3F99];
	s0 =	simm.s32 @p1 $0x1  }
0x15: {  	[smem:$0x3FB6] =	sst s0;
	s0 =	simm.s32 @!p2 $0x0  }
0x16: {  	s3 =	sld [smem:$0x3FDB];
	s0 =	simm.s32 @p2 $0x1  }
0x17: {  	s4 =	simm.s32 $0x1BF5;
	[smem:$0x3FB8] =	sst s0  }
0x18: {  	s0 =	sld [smem:$0x3F9B];
	_ =	swait.ge [sflag:s4], $0x0  }
0x19: {  	s7 =	sld [smem:$0x3F9C]  }
0x1a: {  	s8 =	sadd.s32 $0xFFFFE003, lr  }
0x1b: {  	s9 =	sadd.s32 $0xFFFFFEF7, lr;
	s5 =	simm.s32 $0xFFFFFFFF;
	p2 =	slt.u32 s8, $0xFFFFF086  }
0x1c: {  	p1 =	slt.u32 s9, $0xF7A;
	s5 =	simm.s32 @!p2 $0x0  }
0x1d: {  	s5 =	simm.s32 @p1 $0x1;
	p0 =	seq.s32 s7, s2  }
0x1e: {  	s7 =	smul.u32 @!p0 $0xF7A, s2;
	p2 =	seq.s32 @!p0 s5, $0x0  }
0x1f: {  	s9 =	smul.u32 $0xF7A, s1;
	s8 =	simm.s32 @!p0 $0x1BF5;
	p2 =	por !p2, p0  }
0x20: {  	[sflag:s8] =	ssyncset.s32 @!p0 $0xFFFFF086;
	s6 =	sadd.s32 @!p0 s3, s7;
	s7 =	simm.s32 @!p0 $0x108  }
0x21: {  	s3 =	sadd.s32 s3, s9;
	s6 =	sadd.s32 @!p0 $0x88, s6;
	s7 =	simm.s32 @p2 $0x1082  }
0x22: {  	[simem:s7], [sflag:s8] =	dma.local @!p0 [hbm:s6], $0xF7A  }
0x23: {  	s9 =	sor.u32 $0xD0000000, s2;
	s6 =	simm.s32 $0x108;
	_ =	swait.ge @!p0 [sflag:s8], $0x0  }
0x24: {  	s3 =	sadd.s32 $0x88, s3;
	s6 =	simm.s32 @!p1 $0x1082;
	[sflag:s4] =	ssyncset.s32 $0xFFFFF086  }
0x25: {  	[simem:s6], [sflag:s4] =	dma.local [hbm:s3], $0xF7A  }
0x26: {  	[smem:$0x3F9C] =	sst s1;
	(tag) =	ssettag s2;
	_ =	strace s9  }
0x27: {  	s1 =	sld [smem:$0x3FAC]  }
0x28: {  	s2 =	sld [smem:$0x3FAD]  }
0x29: {  	s4 =	sld [smem:$0x3FAF]  }
0x2a: {  	p0 =	seq.s32 s5, $0x0;
	s5 =	sld [smem:$0x3FB0]  }
0x2b: {  	s6 =	sld [smem:$0x3FB1]  }
0x2c: {  	s7 =	sld [smem:$0x3FB2]  }
0x2d: {  	s3 =	simm.s32 $0x108;
	s8 =	sld [smem:$0x3FB3]  }
0x2e: {  	s3 =	simm.s32 @!p0 $0x1082;
	s9 =	sld [smem:$0x3FB4]  }
0x2f: {  	lr =	sadd.s32 s0, s3;
	s0 =	sld [smem:$0x3FAB]  }
0x30: {  	s3 =	sld [smem:$0x3FAE]  }
0x31: {  	[smem:$0x3FB7] =	sst s10  }
0x32: {  	s10 =	sld [smem:$0x3FB5];
	_ =	sdelay $0x3  }
0x33: {  	p0 =	seq.s32 s10, $0x1;
	s10 =	sld [smem:$0x3FB7];
	_ =	sdelay $0x3  }
0x34: {  	[smem:$0x3FB7] =	sst s10  }
0x35: {  	s10 =	sld [smem:$0x3FB6];
	_ =	sdelay $0x3  }
0x36: {  	p1 =	seq.s32 s10, $0x1;
	s10 =	sld [smem:$0x3FB7];
	_ =	sdelay $0x3  }
0x37: {  	[smem:$0x3FB7] =	sst s10  }
0x38: {  	s10 =	sld [smem:$0x3FB8]  }
0x39: {  	_ = 	snop;
	(pc) =	sbr.ind lr, $3  }
0x3a: {  	_ = 	snop  }
0x3b: {  	_ = 	snop  }
0x3c: {  	p2 =	seq.s32 s10, $0x1;
	s10 =	sld [smem:$0x3FB7]  }
0x3d: {  	_ =	shalt  }
0x3e: {  	_ =	shalt  }
0x3f: {  	_ =	shalt  }
0x40: {  	_ =	shalt  }
0x41: {  	_ =	shalt  }
0x42: {  	_ =	shalt  }
0x43: {  	_ =	shalt  }
0x44: {  	_ =	shalt  }
0x45: {  	_ =	shalt  }
0x46: {  	_ =	shalt  }
0x47: {  	_ =	shalt  }
0x48: {  	_ =	shalt  }
0x49: {  	_ =	shalt  }
0x4a: {  	_ =	shalt  }
0x4b: {  	_ =	shalt  }
0x4c: {  	_ =	shalt  }
0x4d: {  	_ =	shalt  }
0x4e: {  	_ =	shalt  }
0x4f: {  	_ =	shalt  }
0x50: {  	_ =	shalt  }
0x51: {  	_ =	shalt  }
0x52: {  	_ =	shalt  }
0x53: {  	_ =	shalt  }
0x54: {  	_ =	shalt  }
0x55: {  	_ =	shalt  }
0x56: {  	_ =	shalt  }
0x57: {  	_ =	shalt  }
0x58: {  	_ =	shalt  }
0x59: {  	_ =	shalt  }
0x5a: {  	_ =	shalt  }
0x5b: {  	_ =	shalt  }
0x5c: {  	_ =	shalt  }
0x5d: {  	_ =	shalt  }
0x5e: {  	_ =	shalt  }
0x5f: {  	_ =	shalt  }
0x60: {  	_ =	shalt  }
0x61: {  	_ =	shalt  }
0x62: {  	_ =	shalt  }
0x63: {  	_ =	shalt  }
0x64: {  	_ =	shalt  }
0x65: {  	_ =	shalt  }
0x66: {  	_ =	shalt  }
0x67: {  	_ =	shalt  }
0x68: {  	_ =	shalt  }
0x69: {  	_ =	shalt  }
0x6a: {  	_ =	shalt  }
0x6b: {  	_ =	shalt  }
0x6c: {  	_ =	shalt  }
0x6d: {  	_ =	shalt  }
0x6e: {  	_ =	shalt  }
0x6f: {  	_ =	shalt  }
0x70: {  	_ =	shalt  }
0x71: {  	_ =	shalt  }
0x72: {  	_ =	shalt  }
0x73: {  	_ =	shalt  }
0x74: {  	_ =	shalt  }
0x75: {  	_ =	shalt  }
0x76: {  	_ =	shalt  }
0x77: {  	_ =	shalt  }
0x78: {  	_ =	shalt  }
0x79: {  	_ =	shalt  }
0x7a: {  	_ =	shalt  }
0x7b: {  	_ =	shalt  }
0x7c: {  	_ =	shalt  }
0x7d: {  	_ =	shalt  }
0x7e: {  	_ =	shalt  }
0x7f: {  	_ =	shalt  }
0x80: {  	_ =	shalt  }
0x81: {  	_ =	shalt  }
0x82: {  	_ =	shalt  }
0x83: {  	_ =	shalt  }
0x84: {  	_ =	shalt  }
0x85: {  	_ =	shalt  }
0x86: {  	_ =	shalt  }
0x87: {  	_ =	shalt  }
.Lfunc_end0:
.L_simem_size_0:
called_computation_lowered:
.L_overlay_start_0:
0x88: {  	s2 =	sld [smem:$0x3FD9]  }
0x89: {  	s3 =	sld [smem:$0x3FFE];
	_ =	sdelay $0x1  }
0x8a: {  	s1 =	srdreg.scid  }
0x8b: {  	s0 =	sand.u32 $0x1, s1  }
0x8c: {  	s17 =	sshll.u32 s0, $0xA;
	s2 =	sadd.s32 s3, s2  }
0x8d: {  	s2 =	sadd.s32 s2, s17  }
0x8e: {  	[smem:$0x3FC3] =	sst s2  }
0x8f: {  	_ = 	snop  }
0x90: {  	s2 =	sld [smem:$0x3FD0];
	(tm) =	ssettm $0x1  }
0x91: {  	s18 =	sld [smem:$0x3FFB];
	_ =	sdelay $0x3  }
0x92: {  	_ =	strace s18  }
0x93: {  	s3 =	sld [smem:$0x3FFC];
	_ =	sdelay $0x3  }
0x94: {  	_ =	strace s3  }
0x95: {  	s3 =	sld [smem:$0x3FFD];
	_ =	sdelay $0x3  }
0x96: {  	_ =	strace s3  }
0x97: {  	_ =	strace $0x8FFFFFFF  }
0x98: {  	s19 =	sld [smem:$0x3FDB];
	_ =	sdelay $0x1  }
0x99: {  	s4 =	simm.s32 $_scs_section_size  }
0x9a: {  	s5 =	simm.s32 $_size__tile_overlayer_lowered;
	s6 =	simm.s32 $_tile_overlayer_lowered  }
0x9b: {  	s22 =	simm.s32 $0x1BFF;
	s21 =	sshll.u32 s6, $0x1;
	s3 =	sadd.s32 s4, s19  }
0x9c: {  	s7 =	simm.s32 $0x0;
	s20 =	sshll.u32 s5, $0x1;
	s5 =	sadd.s32 s21, s3  }
0x9d: {  	[timem:s7], [sflag:s22] =	dma.local [hbm:s5], s20  }
0x9e: {  	_ =	swait.ge [sflag:s22], s20  }
0x9f: {  	s4 =	ssub.s32 $0x0, s20;
	[sflag:s22] =	ssyncset.done $0x0  }
0xa0: {  	[sflag:s22] =	ssyncadd.s32 s4;
	_ =	sdelay $0x1  }
0xa1: {  	s23 =	simm.s32 $0x1B8B  }
0xa2: {  	_ =	swait.ge [sflag:s23], $0x1  }
0xa3: {  	[sflag:s23] =	ssyncset.done $0x0  }
0xa4: {  	s25 =	simm.s32 $0x1B8E;
	s24 =	sld [smem:$0x3FFE];
	[sflag:s23] =	ssyncadd.s32 $0xFFFFFFFF  }
0xa5: {  	s26 =	simm.s32 $execute0_lowered;
	[smem:$0x3FD2] =	sst s25  }
0xa6: {  	s5 =	sshll.u32 s26, $0x1;
	_ =	strace $0x80000046;
	[dreg:$0x1] =	wrdreg $0xFFFFFFFF  }
0xa7: {  	s28 =	simm.s32 $_size_execute0_lowered;
	s3 =	sadd.s32 s3, s5;
	[dreg:$0x0] =	wrdreg $0x0  }
0xa8: {  	s5 =	sshll.u32 s28, $0x1;
	[dreg:$0x2] =	wrdreg s3  }
0xa9: {  	[dreg:$0x3] =	wrdreg s5  }
0xaa: {  	[dreg:$0x4] =	wrdreg $0xC0  }
0xab: {  	_ =	task [dreg:s7], $0x5FFFF  }
0xac: {  	[dreg:$0x1] =	wrdreg $0xFFFFFFFF  }
0xad: {  	[dreg:$0x0] =	wrdreg $0x60  }
0xae: {  	[dreg:$0x2] =	wrdreg s2  }
0xaf: {  	[dreg:$0x3] =	wrdreg s24  }
0xb0: {  	[dreg:$0x4] =	wrdreg $0x0  }
0xb1: {  	[dreg:$0x5] =	wrdreg $0x9  }
0xb2: {  	_ =	task.clear_ibuf [dreg:s7], $0x6FFFF;
	_ =	strace $0x90000046  }
0xb3: {  	s29 =	simm.s32 $0x9;
	_ =	strace $0x80000048  }
0xb4: {  	_ =	swait.ge [sflag:s29], $0x1  }
0xb5: {  	[sflag:s29] =	ssyncadd.s32 $0xFFFFFFFF  }
0xb6: {  	_ =	strace $0x90000048  }
0xb7: {  	_ =	sfence  }
0xb8: {  	s30 =	sld [smem:$0x0];
	_ =	sdelay $0x2  }
0xb9: {  	s31 =	sshll.u32 s1, $0xD;
	s1 =	sshrl.u32 s1, $0x2  }
0xba: {  	s3 =	sand.u32 $0x4000, s31;
	s1 =	sadd.s32 s1, s30  }
0xbb: {  	s0 =	sor.u32 s3, s0;
	s1 =	sshll.u32 s1, $0x11  }
0xbc: {  	s0 =	sor.u32 s1, s0  }
0xbd: {  	s0 =	sadd.s32 $0x8F2B, s0  }
0xbe: {  	[sflag:s0] =	ssyncadd.remote.s32 $0x1  }
0xbf: {  	_ =	sfence.sel $0xFFFF  }
0xc0: {  	[dreg:$0x0] =	wrdreg $0xFFFFFFFF;
	(pc) =	sbr.abs _section_cstart, $3  }
0xc1: {  	[dreg:$0x1] =	wrdreg $0xFFFFFFFF  }
0xc2: {  	_ =	task.clear_ibuf [dreg:s7], $0x2FFFF;
	_ =	strace $0x9FFFFFFF  }
0xc3: {  	(tm) =	ssettm $0x7FFFFFFF  }
tec
execute0_lowered:
.L_overlay_start_1:
0x0: {  	(tag) =	ssettag $0x1  }
0x1: {  	s28 =	stileid.u32  }
0x2: {  	s2 =	smul.u32 $0x500, s28  }
0x3: {  	s25 =	smul.u32 $0xA000, s28;
	s8 =	sor.u32 $0x10, s28  }
0x4: {  	s1 =	rddreg [dreg:$0x0];
	s13 =	sor.u32 $0x20, s28;
	s11 =	smul.u32 $0xA000, s8  }
0x5: {  	s0 =	rddreg [dreg:$0x1];
	s17 =	sor.u32 $0x30, s28;
	s14 =	smul.u32 $0xA000, s13  }
0x6: {  	s3 =	rddreg [dreg:$0x2];
	s21 =	sor.u32 $0x40, s28;
	s15 =	smul.u32 $0xA000, s17  }
0x7: {  	s4 =	simm.s32 $0x0;
	s22 =	sor.u32 $0x50, s28;
	s16 =	smul.u32 $0xA000, s21  }
0x8: {  	s7 =	srdreg.scid;
	s23 =	sor.u32 $0x60, s28;
	s26 =	smul.u32 $0xA000, s22  }
0x9: {  	[smem:$0x7FF] =	sst s4;
	s5 =	sadd.s32 $0x5C00, s0;
	s18 =	smul.u32 $0xA000, s23  }
0xa: {  	s6 =	sadd.s32 $0xC00, s0;
	s29 =	sadd.s32 $0x14A00, s0;
	s8 =	smul.u32 $0x500, s8  }
0xb: {  	s30 =	sadd.s32 $0x3BC00, s0;
	s9 =	sand.u32 $0x1, s7;
	s24 =	smul.u32 $0x500, s13  }
0xc: {  	p0 =	sgt.u32 s28, $0xC;
	p2 =	slt.u32 s28, $0xD;
	s17 =	smul.u32 $0x500, s17  }
0xd: {  	_ =	strace $0x80000047;
	s22 =	smul.u32 $0x500, s22;
	[dreg:$0x5] =	wrdreg s30  }
0xe: {  	s10 =	ssub.s32 $0x2, s9;
	s23 =	smul.u32 $0x500, s23;
	[dreg:$0x4] =	wrdreg s29  }
0xf: {  	p1 =	sne.s32 s9, $0x0;
	s0 =	sadd.s32 s2, s0;
	s12 =	sshrl.u32 s10, $0x1  }
0x10: {  	s7 =	sshrl.u32 s25, $0x2;
	s25 =	sor.u32 $0x70, s28;
	s20 =	ssub.s32 s10, s12  }
0x11: {  	s10 =	sadd.s32 s7, s3;
	s11 =	sshrl.u32 s11, $0x2;
	s14 =	sshrl.u32 s14, $0x2  }
0x12: {  	s15 =	sshrl.u32 s15, $0x2;
	s16 =	sshrl.u32 s16, $0x2;
	s19 =	smul.u32 $0xA000, s25  }
0x13: {  	s7 =	sshrl.u32 s26, $0x2;
	s26 =	smul.u32 $0x27100, s9;
	s0 =	sadd.s32 $0xFA00, s0  }
0x14: {  	s18 =	sshrl.u32 s18, $0x2;
	s25 =	smul.u32 $0x500, s25;
	[dreg:$0x9] =	wrdreg s0  }
0x15: {  	s11 =	sadd.s32 s11, s3;
	s12 =	sadd.s32 s14, s3;
	[dreg:$0x6] =	wrdreg s26  }
0x16: {  	s13 =	sadd.s32 s15, s3;
	[dreg:$0x8] =	wrdreg s25;
	s25 =	sadd.s32 s30, s2  }
0x17: {  	s14 =	sadd.s32 s16, s3;
	[dreg:$0xa] =	wrdreg s25;
	s25 =	sadd.s32 s29, s2  }
0x18: {  	s15 =	smul.u32 $0x2710, s28;
	s2 =	sadd.s32 s30, s8;
	[dreg:$0xb] =	wrdreg s25  }
0x19: {  	s16 =	sadd.s32 s7, s3;
	[dreg:$0xc] =	wrdreg s2;
	s25 =	sadd.s32 s29, s8  }
0x1a: {  	s18 =	sadd.s32 s18, s3;
	s2 =	sadd.s32 s30, s24;
	[dreg:$0xd] =	wrdreg s25  }
0x1b: {  	s7 =	smul.u32 $0x500, s21;
	s8 =	sadd.s32 s29, s24;
	[dreg:$0xe] =	wrdreg s2  }
0x1c: {  	s0 =	simm.s32 $0x13A80;
	s24 =	sadd.s32 s30, s17;
	[dreg:$0xf] =	wrdreg s8  }
0x1d: {  	s28 =	simm.s32 $0x1;
	[dreg:$0x10] =	wrdreg s24;
	s25 =	sadd.s32 s29, s17  }
0x1e: {  	s19 =	sshrl.u32 s19, $0x2;
	s2 =	sadd.s32 s30, s7;
	[dreg:$0x11] =	wrdreg s25  }
0x1f: {  	s19 =	sadd.s32 s19, s3;
	s7 =	sadd.s32 s29, s7;
	[dreg:$0x12] =	wrdreg s2  }
0x20: {  	s26 =	sadd.s32 s15, s26;
	s8 =	sadd.s32 s30, s22;
	[dreg:$0x13] =	wrdreg s7  }
0x21: {  	s21 =	sshrl.u32 s26, $0x3;
	s17 =	sadd.s32 s29, s22;
	[dreg:$0x14] =	wrdreg s8  }
0x22: {  	s26 =	sshrl.u32 s15, $0x3;
	s22 =	sadd.s32 s30, s23;
	[dreg:$0x15] =	wrdreg s17  }
0x23: {  	s21 =	sadd.s32 s5, s21;
	s24 =	sadd.s32 s29, s23;
	[dreg:$0x16] =	wrdreg s22  }
0x24: {  	s26 =	sadd.s32 s6, s26;
	s23 =	simm.s32 $0x13880;
	[dreg:$0x17] =	wrdreg s24  }
.Ltmp0:
0x25: {  	s25 =	smax.u32 s20, $0x1;
	[dreg:$0x7] =	wrdreg s21;
	(pc) =	sbr.rel .LBB2_1-.Ltmp0, $4  }
0x26: {  	s29 =	sadd.s32 $0xA, s21;
	s31 =	smov.u32 s26;
	s30 =	sadd.s32 $0xA, s26  }
0x27: {  	s22 =	simm.s32 $0x5;
	s24 =	simm.s32 $0x13980;
	[dreg:$0x18] =	wrdreg s25  }
0x28: {  	s26 =	simm.s32 $0x50;
	s2 =	simm.s32 $0x18A80;
	[dreg:$0x19] =	wrdreg s29  }
0x29: {  	v0 =	vimm.f32 $0.0e+00;
	v1 =	vimm.f32 $1.000000000e+00;
	s7 =	simm.s32 $0x0;
	[dreg:$0x1a] =	wrdreg s30;
	s25 =	simm.s32 $0x3  }
.LBB2_12:
0x2a: {  	s20 =	rddreg [dreg:$0x8]  }
0x2b: {  	s30 =	sshrl.u32 s19, $0x3;
	s17 =	sadd.s32 s17, s20  }
0x2c: {  	[hbm:s17], [sflag:s8] =	dma.local [spmem:s30], $0x500  }
0x2d: {  	_ =	swait.ge [sflag:s22], $0x500  }
0x2e: {  	[sflag:s22] =	ssyncset.done $0x0  }
0x2f: {  	[sflag:s22] =	ssyncadd.s32 $0xFFFFFB00  }
.LBB2_13:
0x30: {  	s7 =	sadd.s32 $0x1, s7;
	s8 =	rddreg [dreg:$0x18]  }
0x31: {  	p3 =	sne.s32 s7, s8  }
.Ltmp1:
0x32: {  	_ = 	snop;
	(pc) =	sbr.rel @!p3 .LBB2_14-.Ltmp1, $1  }
0x33: {  	_ =	sdelay $0x3  }
.LBB2_1:
0x34: {  	s8 =	simm.s32 $0x0;
	s17 =	simm.s32 $0x200  }
.LBB2_2:
0x35: {  	p3 =	sne.s32 s17, $0x9E00;
	[tilespmem:s8+$0x13AF0] =	vst v0  }
0x36: {  	[tilespmem:s8+$0x13A80] =	vst v0  }
0x37: {  	[tilespmem:s8+$0x13A90] =	vst v0  }
.Ltmp2:
0x38: {  	[tilespmem:s8+$0x13AA0] =	vst v0;
	(pc) =	sbr.rel @p3 .LBB2_2-.Ltmp2, $4  }
0x39: {  	[tilespmem:s8+$0x13AB0] =	vst v0  }
0x3a: {  	[tilespmem:s8+$0x13AC0] =	vst v0  }
0x3b: {  	[tilespmem:s8+$0x13AD0] =	vst v0  }
0x3c: {  	[tilespmem:s8+$0x13AE0] =	vst v0;
	s8 =	sshra.s32 s17, $0x2;
	s17 =	sadd.s32 $0x200, s17  }
0x3d: {  	[tilespmem:s8+$0x13AF0] =	vst v0  }
0x3e: {  	[tilespmem:s8+$0x13A80] =	vst v0  }
0x3f: {  	[tilespmem:s8+$0x13A90] =	vst v0  }
0x40: {  	[tilespmem:s8+$0x13AA0] =	vst v0  }
0x41: {  	[tilespmem:s8+$0x13AB0] =	vst v0  }
0x42: {  	[tilespmem:s8+$0x13AC0] =	vst v0  }
0x43: {  	[tilespmem:s8+$0x13AD0] =	vst v0  }
0x44: {  	[tilespmem:s8+$0x13AE0] =	vst v0;
	s8 =	simm.s32 $0x40;
	s17 =	simm.s32 $0x0  }
.LBB2_4:
0x45: {  	p3 =	sne.s32 s8, $0x9C00;
	[tilespmem:s17+$0x18A80] =	vst v0;
	s17 =	smov.u32 s8;
	s8 =	sadd.s32 $0x40, s8  }
.Ltmp3:
0x46: {  	(pc) =	sbr.rel @p3 .LBB2_4-.Ltmp3, $2  }
0x47: {  	_ =	sdelay $0x2  }
0x48: {  	s17 =	sshra.s32 s17, $0x2  }
0x49: {  	[tilespmem:s17+$0x18A80] =	vst v0  }
0x4a: {  	[spmem:s10] =	stream.linear.scatter [tilespmem:s0], [sflag:$0x5], $0x2800, $0x38;
	[tilespmem:$0x1B200] =	vst v63  }
0x4b: {  	_ =	swait.ge [sflag:s22], $0x2800  }
0x4c: {  	[sflag:s22] =	ssyncset.done $0x0  }
0x4d: {  	[sflag:s22] =	ssyncadd.s32 $0xFFFFD800  }
0x4e: {  	[spmem:s11] =	stream.linear.scatter [tilespmem:s0], [sflag:$0x5], $0x2800, $0x38;
	[tilespmem:$0x1B200] =	vst v63  }
0x4f: {  	_ =	swait.ge [sflag:s22], $0x2800  }
0x50: {  	[sflag:s22] =	ssyncset.done $0x0  }
0x51: {  	[sflag:s22] =	ssyncadd.s32 $0xFFFFD800  }
0x52: {  	[spmem:s12] =	stream.linear.scatter [tilespmem:s0], [sflag:$0x5], $0x2800, $0x38;
	[tilespmem:$0x1B200] =	vst v63  }
0x53: {  	_ =	swait.ge [sflag:s22], $0x2800  }
0x54: {  	[sflag:s22] =	ssyncset.done $0x0  }
0x55: {  	[sflag:s22] =	ssyncadd.s32 $0xFFFFD800  }
0x56: {  	[spmem:s13] =	stream.linear.scatter [tilespmem:s0], [sflag:$0x5], $0x2800, $0x38;
	[tilespmem:$0x1B200] =	vst v63  }
0x57: {  	_ =	swait.ge [sflag:s22], $0x2800  }
0x58: {  	[sflag:s22] =	ssyncset.done $0x0  }
0x59: {  	[sflag:s22] =	ssyncadd.s32 $0xFFFFD800  }
0x5a: {  	[spmem:s14] =	stream.linear.scatter [tilespmem:s0], [sflag:$0x5], $0x2800, $0x38;
	[tilespmem:$0x1B200] =	vst v63  }
0x5b: {  	_ =	swait.ge [sflag:s22], $0x2800  }
0x5c: {  	[sflag:s22] =	ssyncset.done $0x0  }
0x5d: {  	[sflag:s22] =	ssyncadd.s32 $0xFFFFD800  }
0x5e: {  	[spmem:s16] =	stream.linear.scatter [tilespmem:s0], [sflag:$0x5], $0x2800, $0x38;
	[tilespmem:$0x1B200] =	vst v63  }
0x5f: {  	_ =	swait.ge [sflag:s22], $0x2800  }
0x60: {  	[sflag:s22] =	ssyncset.done $0x0  }
0x61: {  	[sflag:s22] =	ssyncadd.s32 $0xFFFFD800  }
0x62: {  	[spmem:s18] =	stream.linear.scatter [tilespmem:s0], [sflag:$0x5], $0x2800, $0x38;
	[tilespmem:$0x1B200] =	vst v63  }
0x63: {  	_ =	swait.ge [sflag:s22], $0x2800  }
0x64: {  	[sflag:s22] =	ssyncset.done $0x0  }
0x65: {  	s8 =	simm.s32 @!p0 $0x13A80;
	[sflag:s22] =	ssyncadd.s32 $0xFFFFD800  }
0x66: {  	[spmem:s19] =	stream.linear.scatter @!p0 [tilespmem:s8], [sflag:$0x5], $0x2800, $0x38;
	[tilespmem:$0x1B200] =	vst v63  }
0x67: {  	s8 =	simm.s32 @!p0 $0x5  }
0x68: {  	_ =	swait.ge @!p0 [sflag:s8], $0x2800  }
0x69: {  	[sflag:s8] =	ssyncset.done @!p0 $0x0  }
0x6a: {  	[sflag:s8] =	ssyncadd.s32 @!p0 $0xFFFFD800  }
0x6b: {  	[bflag:$0x0] =	sbarrier.arrive $0xFFFF  }
0x6c: {  	s8 =	simm.s32 $0x0;
	s20 =	rddreg [dreg:$0x7]  }
0x6d: {  	[tilespmem:s23], [sflag:$0x3] =	stream.linear.gather [hbm4b:s20+s8], $0x50, $0x38;
	[tilespmem:$0x1B200] =	vst v63  }
0x6e: {  	_ = 	snop  }
0x6f: {  	[tilespmem:s24], [sflag:$0x3] =	stream.linear.gather [hbm4b:s31+s8], $0x50, $0x38;
	[tilespmem:$0x1B200] =	vst v63  }
0x70: {  	_ =	swait.ge [sflag:s25], $0x50  }
0x71: {  	[sflag:s25] =	ssyncset.done $0x0  }
0x72: {  	[sflag:s25] =	ssyncadd.s32 $0xFFFFFFB0  }
0x73: {  	_ =	swait.ge [sflag:s25], $0x50  }
0x74: {  	[sflag:s25] =	ssyncset.done $0x0  }
0x75: {  	[sflag:s25] =	ssyncadd.s32 $0xFFFFFFB0  }
0x76: {  	[tilespmem:s0], [sflag:$0x1] =	stream.indirect.gather [hbm4b:s1+s26], $0x80, s23, s26, $0xb8;
	[tilespmem:$0x1B200] =	vst v63  }
.Ltmp4:
0x77: {  	s21 =	rddreg [dreg:$0x19];
	(pc) =	sbr.rel .LBB2_6-.Ltmp4, $4  }
0x78: {  	s20 =	simm.s32 $0x13900;
	s29 =	rddreg [dreg:$0x1a]  }
0x79: {  	[tilespmem:s20], [sflag:$0x4] =	stream.linear.gather [hbm4b:s21+s8], $0x50, $0x38;
	[tilespmem:$0x1B200] =	vst v63  }
0x7a: {  	s30 =	simm.s32 $0x13A00;
	s17 =	rddreg [dreg:$0x6];
	s20 =	simm.s32 $0x0  }
0x7b: {  	[tilespmem:s30], [sflag:$0x4] =	stream.linear.gather [hbm4b:s29+s8], $0x50, $0x38;
	[tilespmem:$0x1B200] =	vst v63  }
.LBB2_9:
0x7c: {  	p4 =	seq.s32 s20, $0x3E  }
.Ltmp5:
0x7d: {  	_ = 	snop;
	(pc) =	sbr.rel @p4 .LBB2_11-.Ltmp5, $1  }
0x7e: {  	_ =	sdelay $0x3  }
.LBB2_10:
0x7f: {  	s21 =	sadd.s32 s17, s15  }
0x80: {  	s21 =	sadd.s32 $0xA0, s21  }
0x81: {  	s21 =	sshrl.u32 s21, $0x3  }
0x82: {  	s30 =	sadd.s32 s8, s15;
	s21 =	sadd.s32 s5, s21  }
0x83: {  	[tilespmem:s23], [sflag:$0x3] =	stream.linear.gather [hbm4b:s21+s4], $0x50, $0x38;
	[tilespmem:$0x1B200] =	vst v63  }
0x84: {  	s21 =	sadd.s32 $0xA0, s30  }
0x85: {  	s21 =	sshrl.u32 s21, $0x3  }
0x86: {  	s21 =	sadd.s32 s6, s21  }
0x87: {  	[tilespmem:s24], [sflag:$0x3] =	stream.linear.gather [hbm4b:s21+s4], $0x50, $0x38;
	[tilespmem:$0x1B200] =	vst v63  }
0x88: {  	s21 =	simm.s32 @!p3 $0x2  }
0x89: {  	_ =	swait.ge @!p3 [sflag:s21], $0x2800  }
0x8a: {  	[sflag:s21] =	ssyncset.done @!p3 $0x0  }
0x8b: {  	[sflag:s21] =	ssyncadd.s32 @!p3 $0xFFFFD800;
	s21 =	simm.s32 @!p3 $0x3  }
0x8c: {  	_ =	swait.ge @!p3 [sflag:s21], $0x50  }
0x8d: {  	[sflag:s21] =	ssyncset.done @!p3 $0x0  }
0x8e: {  	[sflag:s21] =	ssyncadd.s32 @!p3 $0xFFFFFFB0  }
0x8f: {  	_ =	swait.ge @!p3 [sflag:s21], $0x50  }
0x90: {  	s29 =	simm.s32 @!p3 $0x13880;
	[sflag:s21] =	ssyncset.done @!p3 $0x0  }
0x91: {  	s30 =	simm.s32 @!p3 $0x13A80;
	[sflag:s21] =	ssyncadd.s32 @!p3 $0xFFFFFFB0;
	s21 =	simm.s32 @!p3 $0x50  }
0x92: {  	[tilespmem:s30], [sflag:$0x1] =	stream.indirect.gather @!p3 [hbm4b:s1+s21], $0x80, s29, s21, $0xb8;
	[tilespmem:$0x1B200] =	vst v63  }
0x93: {  	s29 =	simm.s32 @!p3 $0x13A00;
	s30 =	simm.s32 @!p3 $0x16280  }
0x94: {  	[spmem:s3] =	stream.indirect.scatter.add.f32 @!p3 [tilespmem:s30], [sflag:$0x5], $0x80, s29, s21, $0xb8;
	[tilespmem:$0x1B200] =	vst v63  }
0x95: {  	s21 =	simm.s32 @!p3 $0x5  }
0x96: {  	_ =	swait.ge @!p3 [sflag:s21], $0x2800  }
0x97: {  	p4 =	sne.s32 @!p3 s9, $0x0;
	[sflag:s21] =	ssyncset.done @!p3 $0x0  }
0x98: {  	p4 =	por p4, p3;
	[sflag:s21] =	ssyncadd.s32 @!p3 $0xFFFFD800  }
0x99: {  	v2 =	vld @!p4 [tilespmem:$0x13A00];
	_ =	sdelay $0x6  }
0x9a: {  	v3 =	vimm.f32 @!p4 $1.000000000e+00;
	s21 =	simm.s32 @!p4 $0x18A80  }
0x9b: {  	[tilespmem:v2+s21+$0x0] =	vst.idx.add.f32.msk @!p4 $0xffff, v3  }
0x9c: {  	v2 =	vld @!p4 [tilespmem:$0x13A10];
	_ =	sdelay $0x7  }
0x9d: {  	[tilespmem:v2+s21+$0x0] =	vst.idx.add.f32.msk @!p4 $0xffff, v3  }
0x9e: {  	v2 =	vld @!p4 [tilespmem:$0x13A20];
	_ =	sdelay $0x7  }
0x9f: {  	[tilespmem:v2+s21+$0x0] =	vst.idx.add.f32.msk @!p4 $0xffff, v3  }
0xa0: {  	v2 =	vld @!p4 [tilespmem:$0x13A30];
	_ =	sdelay $0x7  }
0xa1: {  	[tilespmem:v2+s21+$0x0] =	vst.idx.add.f32.msk @!p4 $0xffff, v3  }
0xa2: {  	v2 =	vld @!p4 [tilespmem:$0x13A40];
	_ =	sdelay $0x2  }
0xa3: {  	p5 =	seq.s32 @!p3 s20, $0x3D  }
0xa4: {  	p3 =	por p5, p3  }
0xa5: {  	s29 =	sadd.s32 @!p3 s17, s15  }
0xa6: {  	s29 =	sadd.s32 @!p3 $0xF0, s29  }
0xa7: {  	s29 =	sshrl.u32 @!p3 s29, $0x3  }
0xa8: {  	s30 =	simm.s32 @!p3 $0x13900;
	[tilespmem:v2+s21+$0x0] =	vst.idx.add.f32.msk @!p4 $0xffff, v3;
	s21 =	sadd.s32 @!p3 s5, s29;
	s29 =	simm.s32 @!p3 $0x0  }
0xa9: {  	[tilespmem:s30], [sflag:$0x4] =	stream.linear.gather @!p3 [hbm4b:s21+s29], $0x50, $0x38;
	[tilespmem:$0x1B200] =	vst v63  }
0xaa: {  	s21 =	sadd.s32 @!p3 s8, s15  }
0xab: {  	s21 =	sadd.s32 @!p3 $0xF0, s21  }
0xac: {  	s20 =	sadd.s32 $0x1, s20;
	s17 =	sadd.s32 $0xA0, s17;
	s21 =	sshrl.u32 @!p3 s21, $0x3  }
0xad: {  	s30 =	simm.s32 @!p3 $0x13A00;
	s8 =	sadd.s32 $0xA0, s8;
	s21 =	sadd.s32 @!p3 s6, s21  }
0xae: {  	[tilespmem:s30], [sflag:$0x4] =	stream.linear.gather @!p3 [hbm4b:s21+s29], $0x50, $0x38;
	[tilespmem:$0x1B200] =	vst v63  }
.LBB2_6:
0xaf: {  	_ =	swait.ge [sflag:s28], $0x2800  }
0xb0: {  	p3 =	sgt.u32 s20, $0x3D;
	[sflag:s28] =	ssyncset.done $0x0  }
0xb1: {  	s21 =	simm.s32 @!p3 $0x4;
	[sflag:s28] =	ssyncadd.s32 $0xFFFFD800  }
0xb2: {  	_ =	swait.ge @!p3 [sflag:s21], $0x50  }
0xb3: {  	[sflag:s21] =	ssyncset.done @!p3 $0x0  }
0xb4: {  	[sflag:s21] =	ssyncadd.s32 @!p3 $0xFFFFFFB0  }
0xb5: {  	_ =	swait.ge @!p3 [sflag:s21], $0x50  }
0xb6: {  	s29 =	simm.s32 @!p3 $0x13900;
	[sflag:s21] =	ssyncset.done @!p3 $0x0  }
0xb7: {  	s30 =	simm.s32 @!p3 $0x16280;
	[sflag:s21] =	ssyncadd.s32 @!p3 $0xFFFFFFB0;
	s21 =	simm.s32 @!p3 $0x50  }
0xb8: {  	[tilespmem:s30], [sflag:$0x2] =	stream.indirect.gather @!p3 [hbm4b:s1+s21], $0x80, s29, s21, $0xb8;
	[tilespmem:$0x1B200] =	vst v63  }
.Ltmp6:
0xb9: {  	_ = 	snop;
	(pc) =	sbr.rel @p1 .LBB2_9-.Ltmp6, $4  }
0xba: {  	[spmem:s3] =	stream.indirect.scatter.add.f32 [tilespmem:s0], [sflag:$0x5], $0x80, s24, s26, $0xb8;
	[tilespmem:$0x1B200] =	vst v63  }
0xbb: {  	_ =	swait.ge [sflag:s22], $0x2800  }
0xbc: {  	[sflag:s22] =	ssyncset.done $0x0  }
0xbd: {  	[sflag:s22] =	ssyncadd.s32 $0xFFFFD800  }
0xbe: {  	v2 =	vld [tilespmem:$0x13980];
	_ =	sdelay $0x7  }
0xbf: {  	[tilespmem:v2+s2+$0x0] =	vst.idx.add.f32.msk $0xffff, v1  }
0xc0: {  	v2 =	vld [tilespmem:$0x13990];
	_ =	sdelay $0x7  }
0xc1: {  	[tilespmem:v2+s2+$0x0] =	vst.idx.add.f32.msk $0xffff, v1  }
0xc2: {  	v2 =	vld [tilespmem:$0x139A0];
	_ =	sdelay $0x7  }
0xc3: {  	[tilespmem:v2+s2+$0x0] =	vst.idx.add.f32.msk $0xffff, v1  }
0xc4: {  	v2 =	vld [tilespmem:$0x139B0];
	_ =	sdelay $0x7  }
0xc5: {  	[tilespmem:v2+s2+$0x0] =	vst.idx.add.f32.msk $0xffff, v1  }
0xc6: {  	v2 =	vld [tilespmem:$0x139C0];
	_ =	sdelay $0x2  }
0xc7: {  	p4 =	seq.s32 s20, $0x3E  }
.Ltmp7:
0xc8: {  	_ = 	snop;
	(pc) =	sbr.rel @!p4 .LBB2_10-.Ltmp7, $2  }
0xc9: {  	_ =	sdelay $0x2  }
0xca: {  	[tilespmem:v2+s2+$0x0] =	vst.idx.add.f32.msk $0xffff, v1  }
0xcb: {  	s8 =	rddreg [dreg:$0x9]  }
0xcc: {  	[hbm4b:s8+s4] =	stream.linear.scatter [tilespmem:s2], [sflag:$0x5], $0x2710, $0x38;
	[tilespmem:$0x1B200] =	vst v63  }
0xcd: {  	_ =	swait.ge [sflag:s22], $0x2710  }
0xce: {  	[sflag:s22] =	ssyncset.done $0x0  }
0xcf: {  	s17 =	stileid.u32;
	[sflag:s22] =	ssyncadd.s32 $0xFFFFD8F0  }
0xd0: {  	s8 =	sshll.u32 s17, $0x6;
	[bflag:$0x0] =	sbarrier.arrive $0xFFFF  }
0xd1: {  	s17 =	sshrl.u32 s10, $0x3;
	s8 =	sor.u32 $0x1C05, s8;
	s20 =	rddreg [dreg:$0xb]  }
0xd2: {  	[hbm:s20], [sflag:s8] =	dma.local [spmem:s17], $0x500  }
0xd3: {  	_ =	swait.ge [sflag:s22], $0x500  }
0xd4: {  	[sflag:s22] =	ssyncset.done $0x0  }
0xd5: {  	s20 =	sshrl.u32 s11, $0x3;
	s21 =	rddreg [dreg:$0xd];
	[sflag:s22] =	ssyncadd.s32 $0xFFFFFB00  }
0xd6: {  	[hbm:s21], [sflag:s8] =	dma.local [spmem:s20], $0x500  }
0xd7: {  	_ =	swait.ge [sflag:s22], $0x500  }
0xd8: {  	[sflag:s22] =	ssyncset.done $0x0  }
0xd9: {  	s29 =	sshrl.u32 s12, $0x3;
	s30 =	rddreg [dreg:$0xf];
	[sflag:s22] =	ssyncadd.s32 $0xFFFFFB00  }
0xda: {  	[hbm:s30], [sflag:s8] =	dma.local [spmem:s29], $0x500  }
0xdb: {  	_ =	swait.ge [sflag:s22], $0x500  }
0xdc: {  	[sflag:s22] =	ssyncset.done $0x0  }
0xdd: {  	s20 =	sshrl.u32 s13, $0x3;
	s21 =	rddreg [dreg:$0x11];
	[sflag:s22] =	ssyncadd.s32 $0xFFFFFB00  }
0xde: {  	[hbm:s21], [sflag:s8] =	dma.local [spmem:s20], $0x500  }
0xdf: {  	_ =	swait.ge [sflag:s22], $0x500  }
0xe0: {  	[sflag:s22] =	ssyncset.done $0x0  }
0xe1: {  	s29 =	sshrl.u32 s14, $0x3;
	s30 =	rddreg [dreg:$0x13];
	[sflag:s22] =	ssyncadd.s32 $0xFFFFFB00  }
0xe2: {  	[hbm:s30], [sflag:s8] =	dma.local [spmem:s29], $0x500  }
0xe3: {  	_ =	swait.ge [sflag:s22], $0x500  }
0xe4: {  	[sflag:s22] =	ssyncset.done $0x0  }
0xe5: {  	s20 =	sshrl.u32 s16, $0x3;
	s21 =	rddreg [dreg:$0x15];
	[sflag:s22] =	ssyncadd.s32 $0xFFFFFB00  }
0xe6: {  	[hbm:s21], [sflag:s8] =	dma.local [spmem:s20], $0x500  }
0xe7: {  	_ =	swait.ge [sflag:s22], $0x500  }
0xe8: {  	[sflag:s22] =	ssyncset.done $0x0  }
0xe9: {  	s29 =	sshrl.u32 s18, $0x3;
	s30 =	rddreg [dreg:$0x17];
	[sflag:s22] =	ssyncadd.s32 $0xFFFFFB00  }
0xea: {  	[hbm:s30], [sflag:s8] =	dma.local [spmem:s29], $0x500  }
.Ltmp8:
0xeb: {  	_ = 	snop;
	(pc) =	sbr.rel @p2 .LBB2_12-.Ltmp8, $4  }
.Ltmp9:
0xec: {  	_ = 	snop;
	(pc) =	sbr.rel @!p2 .LBB2_13-.Ltmp9, $4  }
0xed: {  	_ =	swait.ge [sflag:s22], $0x500  }
0xee: {  	[sflag:s22] =	ssyncset.done $0x0  }
0xef: {  	s17 =	rddreg [dreg:$0x4];
	[sflag:s22] =	ssyncadd.s32 $0xFFFFFB00  }
0xf0: {  	_ = 	snop  }
.LBB2_11:
0xf1: {  	s8 =	stileid.u32  }
0xf2: {  	[bflag:$0x0] =	sbarrier.arrive $0xFFFF;
	s8 =	sshll.u32 s8, $0x6  }
0xf3: {  	s17 =	sshrl.u32 s10, $0x3;
	s20 =	rddreg [dreg:$0xa];
	s8 =	sor.u32 $0x1C05, s8  }
0xf4: {  	[hbm:s20], [sflag:s8] =	dma.local [spmem:s17], $0x500  }
0xf5: {  	_ =	swait.ge [sflag:s22], $0x500  }
0xf6: {  	[sflag:s22] =	ssyncset.done $0x0  }
0xf7: {  	s20 =	sshrl.u32 s11, $0x3;
	s21 =	rddreg [dreg:$0xc];
	[sflag:s22] =	ssyncadd.s32 $0xFFFFFB00  }
0xf8: {  	[hbm:s21], [sflag:s8] =	dma.local [spmem:s20], $0x500  }
0xf9: {  	_ =	swait.ge [sflag:s22], $0x500  }
0xfa: {  	[sflag:s22] =	ssyncset.done $0x0  }
0xfb: {  	s29 =	sshrl.u32 s12, $0x3;
	s30 =	rddreg [dreg:$0xe];
	[sflag:s22] =	ssyncadd.s32 $0xFFFFFB00  }
0xfc: {  	[hbm:s30], [sflag:s8] =	dma.local [spmem:s29], $0x500  }
0xfd: {  	_ =	swait.ge [sflag:s22], $0x500  }
0xfe: {  	[sflag:s22] =	ssyncset.done $0x0  }
0xff: {  	s20 =	sshrl.u32 s13, $0x3;
	s21 =	rddreg [dreg:$0x10];
	[sflag:s22] =	ssyncadd.s32 $0xFFFFFB00  }
0x100: {  	[hbm:s21], [sflag:s8] =	dma.local [spmem:s20], $0x500  }
0x101: {  	_ =	swait.ge [sflag:s22], $0x500  }
0x102: {  	[sflag:s22] =	ssyncset.done $0x0  }
0x103: {  	s29 =	sshrl.u32 s14, $0x3;
	s30 =	rddreg [dreg:$0x12];
	[sflag:s22] =	ssyncadd.s32 $0xFFFFFB00  }
0x104: {  	[hbm:s30], [sflag:s8] =	dma.local [spmem:s29], $0x500  }
0x105: {  	_ =	swait.ge [sflag:s22], $0x500  }
0x106: {  	[sflag:s22] =	ssyncset.done $0x0  }
0x107: {  	s20 =	sshrl.u32 s16, $0x3;
	s21 =	rddreg [dreg:$0x14];
	[sflag:s22] =	ssyncadd.s32 $0xFFFFFB00  }
0x108: {  	[hbm:s21], [sflag:s8] =	dma.local [spmem:s20], $0x500  }
0x109: {  	_ =	swait.ge [sflag:s22], $0x500  }
0x10a: {  	[sflag:s22] =	ssyncset.done $0x0  }
0x10b: {  	s29 =	sshrl.u32 s18, $0x3;
	s30 =	rddreg [dreg:$0x16];
	[sflag:s22] =	ssyncadd.s32 $0xFFFFFB00  }
0x10c: {  	[hbm:s30], [sflag:s8] =	dma.local [spmem:s29], $0x500  }
.Ltmp10:
0x10d: {  	_ = 	snop;
	(pc) =	sbr.rel @p0 .LBB2_13-.Ltmp10, $4  }
.Ltmp11:
0x10e: {  	_ = 	snop;
	(pc) =	sbr.rel @!p0 .LBB2_12-.Ltmp11, $4  }
0x10f: {  	_ =	swait.ge [sflag:s22], $0x500  }
0x110: {  	[sflag:s22] =	ssyncset.done $0x0  }
0x111: {  	s17 =	rddreg [dreg:$0x5];
	[sflag:s22] =	ssyncadd.s32 $0xFFFFFB00  }
0x112: {  	_ = 	snop  }
.LBB2_14:
0x113: {  	_ =	sfence.sel $0x180000  }
0x114: {  	[bflag:$0x0] =	sbarrier.arrive $0xFFFF  }
0x115: {  	_ =	strace $0x90000047  }
0x116: {  	s0 =	stileid.u32;
	[bflag:$0x2] =	sbarrier.arrive $0xFFFF  }
0x117: {  	p0 =	sne.s32 s0, $0x0;
	s0 =	rddreg [dreg:$0x3]  }
0x118: {  	s0 =	sadd.s32 @!p0 $0x100000, s0  }
0x119: {  	[sflag:s0] =	ssyncadd.tile.s32 @!p0 $0x1;
	_ =	shalt  }
.Lfunc_end2:
_tile_overlayer_lowered:
.L_overlay_start_2:
0x11a: {  	(tag) =	ssettag $0x2  }
0x11b: {  	s0 =	rddreg [dreg:$0x0];
	s2 =	stileid.u32  }
0x11c: {  	s1 =	rddreg [dreg:$0x1];
	p0 =	sne.s32 s2, $0x0  }
0x11d: {  	s3 =	rddreg [dreg:$0x2];
	[bflag:$0x3] =	sbarrier.arrive $0xFFFF;
	s2 =	simm.s32 @!p0 $0x1C05  }
0x11e: {  	[timem:s3], [sflag:s2] =	dma.local @!p0 [hbm:s0], s1  }
0x11f: {  	s0 =	simm.s32 @!p0 $0x5  }
0x120: {  	_ =	swait.ge @!p0 [sflag:s0], s1  }
0x121: {  	s1 =	ssub.s32 @!p0 $0x0, s1;
	[sflag:s0] =	ssyncset.done @!p0 $0x0  }
0x122: {  	[sflag:s0] =	ssyncadd.s32 @!p0 s1  }
0x123: {  	[bflag:$0x3] =	sbarrier.arrive $0xFFFF  }
0x124: {  	_ =	shalt  }

</sc_bundles>
